<compile_context>
chip_gen: v7x
topology: tpu7x:2x2x1
jax: 0.10.2.dev20260603
libtpu: 0.0.44.dev20260713+nightly
codegen_flags: <defaults>
</compile_context>

<pallas_src>
import functools

import jax
import jax.numpy as jnp
from jax import lax
from jax.experimental import pallas as pl
from jax.experimental.pallas import tpu as pltpu
from jax.experimental.pallas import tpu_sc as plsc

N = 10000
NPAD = 10240
D = 128
H = 128
O = 64
E = 320000

NC = 2
NS = 16
NW = NC * NS

CHD = 125
ROWS_D = E // CHD
PERW_D = ROWS_D // NW

CHP = 125
ROWS_P = E // CHP
PERW_P = ROWS_P // NW

TPC = NPAD // NS

_MESH = plsc.VectorSubcoreMesh(core_axis_name="c", subcore_axis_name="s")


WDEG = 128

@functools.partial(
    pl.kernel,
    out_type=jax.ShapeDtypeStruct((NC, NPAD, WDEG), jnp.float32),
    mesh=_MESH,
    scratch_types=[
        pltpu.VMEM((PERW_D, CHD), jnp.int32),
        pltpu.VMEM((CHD, WDEG), jnp.float32),
        pltpu.VMEM_SHARED((NPAD, WDEG), jnp.float32),
        pltpu.SemaphoreType.DMA,
    ],
)
def _sc_degree(dst2d, ones_col, zeros_col, deg_out, idx_v, ones_v, acc, sem):
    cid = lax.axis_index("c")
    sid = lax.axis_index("s")
    wid = cid * NS + sid
    pltpu.sync_copy(dst2d.at[pl.ds(wid * PERW_D, PERW_D)], idx_v)
    pltpu.sync_copy(ones_col.at[pl.ds(0, CHD)], ones_v)
    pltpu.sync_copy(zeros_col.at[pl.ds(sid * TPC, TPC)],
                    acc.at[pl.ds(sid * TPC, TPC)])
    plsc.subcore_barrier()

    GD = 16

    def body(gi, _):
        g = gi * GD
        hs = [pltpu.async_copy(ones_v, acc.at[idx_v.at[g + k]], sem,
                               add=True)
              for k in range(GD)]
        for h in hs:
            h.wait()
        return 0

    lax.fori_loop(0, PERW_D // GD, body, 0)
    plsc.subcore_barrier()
    pltpu.sync_copy(acc.at[pl.ds(sid * TPC, TPC)],
                    deg_out.at[cid].at[pl.ds(sid * TPC, TPC)])


NBUF = 2
NHALF = 2
PERH = PERW_P // NHALF

@functools.partial(
    pl.kernel,
    out_type=jax.ShapeDtypeStruct((NC, NPAD, D), jnp.float32),
    mesh=_MESH,
    scratch_types=(
        [pltpu.VMEM((PERH, CHP), jnp.int32),
         pltpu.VMEM((PERW_P, CHP), jnp.int32)]
        + [pltpu.VMEM((CHP, D), jnp.float32)] * NBUF
        + [pltpu.VMEM_SHARED((NPAD, D), jnp.float32)]
        + [pltpu.SemaphoreType.DMA] * NBUF
    ),
)
def _sc_propagate(src2d, dst2d, u_hbm, zeros2d, s_out, src_v, dst_v, *rest):
    bufs = rest[:NBUF]
    acc = rest[NBUF]
    gsems = rest[NBUF + 1:]
    cid = lax.axis_index("c")
    sid = lax.axis_index("s")
    wid = cid * NS + sid
    pltpu.sync_copy(dst2d.at[pl.ds(wid * PERW_P, PERW_P)], dst_v)
    pltpu.sync_copy(zeros2d.at[pl.ds(sid * TPC, TPC)],
                    acc.at[pl.ds(sid * TPC, TPC)])
    plsc.subcore_barrier()

    for half in range(NHALF):
        pltpu.sync_copy(
            src2d.at[pl.ds(wid * PERW_P + half * PERH, PERH)], src_v)

        for b in range(NBUF):
            pltpu.async_copy(u_hbm.at[src_v.at[b]], bufs[b], gsems[b])

        def body(gi, _, half=half):
            g = gi * NBUF
            for b in range(NBUF):
                pltpu.make_async_copy(
                    u_hbm.at[src_v.at[0]], bufs[b], gsems[b]).wait()
                pltpu.sync_copy(
                    bufs[b], acc.at[dst_v.at[half * PERH + g + b]],
                    add=True)
                nxt = jnp.minimum(g + NBUF + b, PERH - 1)
                pltpu.async_copy(u_hbm.at[src_v.at[nxt]], bufs[b],
                                 gsems[b])
            return 0

        lax.fori_loop(0, PERH // NBUF, body, 0)

        for b in range(NBUF):
            pltpu.make_async_copy(
                u_hbm.at[src_v.at[0]], bufs[b], gsems[b]).wait()

    plsc.subcore_barrier()
    pltpu.sync_copy(acc.at[pl.ds(sid * TPC, TPC)],
                    s_out.at[cid].at[pl.ds(sid * TPC, TPC)])


def _tc_prologue_body(x_ref, deg_ref, u_ref, dinv_ref):
    d = deg_ref[0, :, :1] + deg_ref[1, :, :1]
    dinv = lax.rsqrt(d[:N] + 1.0)
    dinv_ref[...] = dinv
    u_ref[...] = x_ref[...] * dinv


def _tc_prologue(xf, deg_parts):
    return pl.pallas_call(
        _tc_prologue_body,
        out_shape=(
            jax.ShapeDtypeStruct((N, D), jnp.float32),
            jax.ShapeDtypeStruct((N, 1), jnp.float32),
        ),
    )(xf, deg_parts)


def _tc_epilogue_body(s_ref, u_ref, dinv_ref,
                      Wz_ref, bz_ref, Lz_ref, lzb_ref,
                      Wh_ref, bh_ref, Lh_ref, lhb_ref,
                      Wout_ref, bout_ref, out_ref):
    y = (s_ref[0] + s_ref[1] + u_ref[...]) * dinv_ref[...]
    cz = jnp.dot(y, Wz_ref[...], preferred_element_type=jnp.float32) + bz_ref[...]
    z = jax.nn.sigmoid(
        jnp.dot(cz, Lz_ref[...], preferred_element_type=jnp.float32) + lzb_ref[...])
    ch = jnp.dot(y, Wh_ref[...], preferred_element_type=jnp.float32) + bh_ref[...]
    ht = jnp.tanh(
        jnp.dot(ch, Lh_ref[...], preferred_element_type=jnp.float32) + lhb_ref[...])
    out_ref[...] = (
        jnp.dot((1.0 - z) * ht, Wout_ref[...], preferred_element_type=jnp.float32)
        + bout_ref[...])


def _tc_epilogue(s_parts, u, dinv,
                 Wz, bz, Lz1, lzb, Wh, bh, Lh1, lhb, Wout, bout):
    nblk = 10
    blk = N // nblk
    full = lambda i: (0, 0)
    return pl.pallas_call(
        _tc_epilogue_body,
        grid=(nblk,),
        in_specs=[
            pl.BlockSpec((NC, blk, D), lambda i: (0, i, 0)),
            pl.BlockSpec((blk, D), lambda i: (i, 0)),
            pl.BlockSpec((blk, 1), lambda i: (i, 0)),
            pl.BlockSpec((D, H), full),
            pl.BlockSpec((1, H), full),
            pl.BlockSpec((H, H), full),
            pl.BlockSpec((1, H), full),
            pl.BlockSpec((D, H), full),
            pl.BlockSpec((1, H), full),
            pl.BlockSpec((H, H), full),
            pl.BlockSpec((1, H), full),
            pl.BlockSpec((H, O), full),
            pl.BlockSpec((1, O), full),
        ],
        out_specs=pl.BlockSpec((blk, O), lambda i: (i, 0)),
        out_shape=jax.ShapeDtypeStruct((N, O), jnp.float32),
    )(s_parts, u, dinv, Wz, bz, Lz1, lzb, Wh, bh, Lh1, lhb, Wout, bout)


def kernel(x, edge_index, Wz, bz, Wr, br, Wh, bh,
           Lz, lzb, Lr, lrb, Lh, lhb, Wout, bout):
    xf = x.reshape(N, D)
    src = edge_index[0]
    dst = edge_index[1]

    dst2d_deg = dst.reshape(ROWS_D, CHD)
    src2d = src.reshape(ROWS_P, CHP)
    dst2d = dst.reshape(ROWS_P, CHP)

    ones_col = jnp.ones((CHD, WDEG), jnp.float32)
    zeros_col = jnp.zeros((NPAD, WDEG), jnp.float32)
    zeros2d = jnp.zeros((NPAD, D), jnp.float32)

    deg_parts = _sc_degree(dst2d_deg, ones_col, zeros_col)
    u, dinv = _tc_prologue(xf, deg_parts)
    s_parts = _sc_propagate(src2d, dst2d, u, zeros2d)

    return _tc_epilogue(
        s_parts, u, dinv,
        Wz, bz.reshape(1, H), Lz[:H], lzb.reshape(1, H),
        Wh, bh.reshape(1, H), Lh[:H], lhb.reshape(1, H),
        Wout, bout.reshape(1, O))

# --- scband reference (transcript-rebuilt; emitter-appended) ---
"""Pipeline reference for scband-tgcnmodel-20555713478796 (READ-ONLY COPY).

The authoritative reference and input builder live on the scoring server;
editing this copy changes nothing except your own understanding.
"""

import jax, jax.numpy as jnp
import numpy as np

N = 10000
E = 320000
F = 16
T = 8
D = F * T
H = 128
O = 64


def setup_inputs(seed: int = 0):
    key = jax.random.key(seed)
    ks = jax.random.split(key, 12)
    x = jax.random.normal(ks[0], (N, T, F), dtype=jnp.float32)
    edge_index = jax.random.randint(ks[1], (2, E), 0, N, dtype=jnp.int32)

    def w(k, shape):
        return jax.random.normal(k, shape, dtype=jnp.float32) * 0.05

    return {
        "x": x,
        "edge_index": edge_index,
        "Wz": w(ks[2], (D, H)), "bz": jnp.zeros((H,), jnp.float32),
        "Wr": w(ks[3], (D, H)), "br": jnp.zeros((H,), jnp.float32),
        "Wh": w(ks[4], (D, H)), "bh": jnp.zeros((H,), jnp.float32),
        "Lz": w(ks[5], (2 * H, H)), "lzb": jnp.zeros((H,), jnp.float32),
        "Lr": w(ks[6], (2 * H, H)), "lrb": jnp.zeros((H,), jnp.float32),
        "Lh": w(ks[7], (2 * H, H)), "lhb": jnp.zeros((H,), jnp.float32),
        "Wout": w(ks[8], (H, O)), "bout": jnp.zeros((O,), jnp.float32),
    }


def _gcn_prop(xw, src, dst, norm_edge, norm_self):
    # symmetric-normalized GCN propagation with self-loops (PyG GCNConv, gcn_norm)
    msgs = xw[src] * norm_edge[:, None]
    out = jnp.zeros_like(xw).at[dst].add(msgs)
    out = out + xw * norm_self[:, None]
    return out


def reference(x, edge_index, Wz, bz, Wr, br, Wh, bh, Lz, lzb, Lr, lrb, Lh, lhb, Wout, bout):
    src = edge_index[0]
    dst = edge_index[1]
    n = x.shape[0]
    xf = x.reshape(n, -1)
    # degrees over A + I (self-loops add 1)
    deg = jnp.ones((n,), jnp.float32).at[dst].add(1.0)
    dinv = jax.lax.rsqrt(deg)
    norm_edge = dinv[src] * dinv[dst]
    norm_self = dinv * dinv
    cz = _gcn_prop(xf @ Wz, src, dst, norm_edge, norm_self) + bz
    cr = _gcn_prop(xf @ Wr, src, dst, norm_edge, norm_self) + br
    ch = _gcn_prop(xf @ Wh, src, dst, norm_edge, norm_self) + bh
    Hprev = jnp.zeros((n, H), jnp.float32)  # TGCN hidden state initialized to zeros
    Z = jax.nn.sigmoid(jnp.concatenate([cz, Hprev], axis=1) @ Lz + lzb)
    R = jax.nn.sigmoid(jnp.concatenate([cr, Hprev], axis=1) @ Lr + lrb)
    Htil = jnp.tanh(jnp.concatenate([ch, Hprev * R], axis=1) @ Lh + lhb)
    Hnew = Z * Hprev + (1.0 - Z) * Htil
    # dropout in eval mode = identity
    out = Hnew @ Wout + bout
    return out

if __name__ == "__main__":
    import jax
    _d = setup_inputs()
    print(jax.jit(kernel)(*tuple(_d.values())))

</pallas_src>

<mosaic_0001>
#map = affine_map<(d0, d1) -> (0, 0)>
#map1 = affine_map<(d0, d1) -> (0, 0, 0)>
module attributes {stable_mosaic.version = 14 : i64} {
  func.func @_sc_degree(%arg0: i32, %arg1: i32, %arg2: memref<2560x125xi32, #tpu.memory_space<hbm>>, %arg3: memref<125x128xf32, #tpu.memory_space<hbm>>, %arg4: memref<10240x128xf32, #tpu.memory_space<hbm>>, %arg5: memref<2x10240x128xf32, #tpu.memory_space<hbm>>, %arg6: memref<80x125xi32, #tpu.memory_space<vmem>>, %arg7: memref<125x128xf32, #tpu.memory_space<vmem>>, %arg8: memref<10240x128xf32, #tpu.memory_space<vmem_shared>>, %arg9: memref<!tpu.dma_semaphore, #tpu.memory_space<semaphore_mem>>) attributes {dimension_semantics = [#tpu.dimension_semantics<core_parallel>, #tpu.dimension_semantics<subcore_parallel>], iteration_bounds = array<i64: 2, 16>, scalar_prefetch = 0 : i64, scratch_operands = 4 : i64, tpu.core_type = #tpu.core_type<sc_vector_subcore>, window_params = [{transform_indices = #map}, {transform_indices = #map}, {transform_indices = #map}, {transform_indices = #map1}]} {
    %mul3A = arith.constant 16 : i32
    %mul3A_0 = arith.muli %arg0, %mul3A : i32
    %add3A = arith.addi %mul3A_0, %arg1 : i32
    %mul3A_1 = arith.constant 80 : i32
    %mul3A_2 = arith.muli %add3A, %mul3A_1 : i32
    "tpu.region"() ({
      %run_scoped3A = tpu.sem_alloc : memref<!tpu.dma_semaphore, #tpu.memory_space<semaphore_mem>>
      %dma_start3A = arith.constant 0 : i32
      %dma_start3A_18 = tpu.memref_slice %arg2[%mul3A_2, %dma_start3A] : memref<2560x125xi32, #tpu.memory_space<hbm>> -> memref<80x125xi32, #tpu.memory_space<hbm>>
      %dma_start3A_19 = arith.constant 0 : i32
      %dma_start3A_20 = tpu.memref_slice %arg2[%mul3A_2, %dma_start3A_19] : memref<2560x125xi32, #tpu.memory_space<hbm>> -> memref<80x125xi32, #tpu.memory_space<hbm>>
      tpu.enqueue_dma source(%dma_start3A_20 : memref<80x125xi32, #tpu.memory_space<hbm>>) target(%arg6 : memref<80x125xi32, #tpu.memory_space<vmem>>) target_semaphore(%run_scoped3A : memref<!tpu.dma_semaphore, #tpu.memory_space<semaphore_mem>>)
      %dma_wait3A = arith.constant 0 : i32
      %dma_wait3A_21 = tpu.memref_slice %arg2[%mul3A_2, %dma_wait3A] : memref<2560x125xi32, #tpu.memory_space<hbm>> -> memref<80x125xi32, #tpu.memory_space<hbm>>
      %dma_wait3A_22 = arith.constant 0 : i32
      %dma_wait3A_23 = tpu.memref_slice %arg2[%mul3A_2, %dma_wait3A_22] : memref<2560x125xi32, #tpu.memory_space<hbm>> -> memref<80x125xi32, #tpu.memory_space<hbm>>
      tpu.wait_dma2 semaphore(%run_scoped3A : memref<!tpu.dma_semaphore, #tpu.memory_space<semaphore_mem>>) src(%dma_wait3A_23 : memref<80x125xi32, #tpu.memory_space<hbm>>) dst(%arg6 : memref<80x125xi32, #tpu.memory_space<vmem>>)
      tpu.yield
    }) : () -> ()
    "tpu.region"() ({
      %run_scoped3A = tpu.sem_alloc : memref<!tpu.dma_semaphore, #tpu.memory_space<semaphore_mem>>
      %dma_start3A = arith.constant 0 : i32
      %dma_start3A_18 = arith.constant 0 : i32
      %dma_start3A_19 = tpu.memref_slice %arg3[%dma_start3A, %dma_start3A_18] : memref<125x128xf32, #tpu.memory_space<hbm>> -> memref<125x128xf32, #tpu.memory_space<hbm>>
      %dma_start3A_20 = arith.constant 0 : i32
      %dma_start3A_21 = arith.constant 0 : i32
      %dma_start3A_22 = tpu.memref_slice %arg3[%dma_start3A_20, %dma_start3A_21] : memref<125x128xf32, #tpu.memory_space<hbm>> -> memref<125x128xf32, #tpu.memory_space<hbm>>
      tpu.enqueue_dma source(%dma_start3A_22 : memref<125x128xf32, #tpu.memory_space<hbm>>) target(%arg7 : memref<125x128xf32, #tpu.memory_space<vmem>>) target_semaphore(%run_scoped3A : memref<!tpu.dma_semaphore, #tpu.memory_space<semaphore_mem>>)
      %dma_wait3A = arith.constant 0 : i32
      %dma_wait3A_23 = arith.constant 0 : i32
      %dma_wait3A_24 = tpu.memref_slice %arg3[%dma_wait3A, %dma_wait3A_23] : memref<125x128xf32, #tpu.memory_space<hbm>> -> memref<125x128xf32, #tpu.memory_space<hbm>>
      %dma_wait3A_25 = arith.constant 0 : i32
      %dma_wait3A_26 = arith.constant 0 : i32
      %dma_wait3A_27 = tpu.memref_slice %arg3[%dma_wait3A_25, %dma_wait3A_26] : memref<125x128xf32, #tpu.memory_space<hbm>> -> memref<125x128xf32, #tpu.memory_space<hbm>>
      tpu.wait_dma2 semaphore(%run_scoped3A : memref<!tpu.dma_semaphore, #tpu.memory_space<semaphore_mem>>) src(%dma_wait3A_27 : memref<125x128xf32, #tpu.memory_space<hbm>>) dst(%arg7 : memref<125x128xf32, #tpu.memory_space<vmem>>)
      tpu.yield
    }) : () -> ()
    %mul3A_3 = arith.constant 640 : i32
    %mul3A_4 = arith.muli %arg1, %mul3A_3 : i32
    %mul3A_5 = arith.constant 640 : i32
    %mul3A_6 = arith.muli %arg1, %mul3A_5 : i32
    "tpu.region"() ({
      %run_scoped3A = tpu.sem_alloc : memref<!tpu.dma_semaphore, #tpu.memory_space<semaphore_mem>>
      %dma_start3A = arith.constant 0 : i32
      %dma_start3A_18 = tpu.memref_slice %arg8[%mul3A_6, %dma_start3A] : memref<10240x128xf32, #tpu.memory_space<vmem_shared>> -> memref<640x128xf32, #tpu.memory_space<vmem_shared>>
      %dma_start3A_19 = arith.constant 0 : i32
      %dma_start3A_20 = tpu.memref_slice %arg4[%mul3A_4, %dma_start3A_19] : memref<10240x128xf32, #tpu.memory_space<hbm>> -> memref<640x128xf32, #tpu.memory_space<hbm>>
      tpu.enqueue_dma source(%dma_start3A_20 : memref<640x128xf32, #tpu.memory_space<hbm>>) target(%dma_start3A_18 : memref<640x128xf32, #tpu.memory_space<vmem_shared>>) target_semaphore(%run_scoped3A : memref<!tpu.dma_semaphore, #tpu.memory_space<semaphore_mem>>)
      %dma_wait3A = arith.constant 0 : i32
      %dma_wait3A_21 = tpu.memref_slice %arg8[%mul3A_6, %dma_wait3A] : memref<10240x128xf32, #tpu.memory_space<vmem_shared>> -> memref<640x128xf32, #tpu.memory_space<vmem_shared>>
      %dma_wait3A_22 = arith.constant 0 : i32
      %dma_wait3A_23 = tpu.memref_slice %arg4[%mul3A_4, %dma_wait3A_22] : memref<10240x128xf32, #tpu.memory_space<hbm>> -> memref<640x128xf32, #tpu.memory_space<hbm>>
      tpu.wait_dma2 semaphore(%run_scoped3A : memref<!tpu.dma_semaphore, #tpu.memory_space<semaphore_mem>>) src(%dma_wait3A_23 : memref<640x128xf32, #tpu.memory_space<hbm>>) dst(%dma_wait3A_21 : memref<640x128xf32, #tpu.memory_space<vmem_shared>>)
      tpu.yield
    }) : () -> ()
    %barrier3A = arith.constant 0 : index
    tpu.barrier barrier_id(%barrier3A)
    %scan3A = arith.constant 0 : i32
    %scan3A_7 = arith.constant 0 : i32
    %scan3A_8 = arith.constant 5 : i32
    %scan3A_9 = arith.addi %scan3A_7, %scan3A_8 : i32
    %scan3A_10 = arith.constant 1 : i32
    %scan3A_11 = scf.for %scan3A_18 = %scan3A_7 to %scan3A_9 step %scan3A_10 iter_args(%scan3A_19 = %scan3A) -> (i32)  : i32 {
      %mul3A_20 = arith.constant 16 : i32
      %mul3A_21 = arith.muli %scan3A_18, %mul3A_20 : i32
      %add3A_22 = arith.constant 0 : i32
      %add3A_23 = arith.addi %mul3A_21, %add3A_22 : i32
      %dma_start3A = arith.constant 0 : i32
      %dma_start3A_24 = tpu.memref_slice %arg6[%add3A_23, %dma_start3A] : memref<80x125xi32, #tpu.memory_space<vmem>> -> memref<1x125xi32, #tpu.memory_space<vmem>>
      %dma_start3A_25 = tpu.memref_squeeze %dma_start3A_24 : memref<1x125xi32, #tpu.memory_space<vmem>> -> memref<125xi32, #tpu.memory_space<vmem>>
      %dma_start3A_26 = arith.constant 0 : i32
      %dma_start3A_27 = arith.constant 0 : i32
      %dma_start3A_28 = tpu.memref_slice %arg8[%dma_start3A_26, %dma_start3A_27] : memref<10240x128xf32, #tpu.memory_space<vmem_shared>> -> memref<10240x128xf32, #tpu.memory_space<vmem_shared>>
      tpu.enqueue_indirect_dma source(%arg7 : memref<125x128xf32, #tpu.memory_space<vmem>>) target(%dma_start3A_28 : memref<10240x128xf32, #tpu.memory_space<vmem_shared>>) offsets(%dma_start3A_25 : memref<125xi32, #tpu.memory_space<vmem>>) semaphore(%arg9 : memref<!tpu.dma_semaphore, #tpu.memory_space<semaphore_mem>>) {add = true}
      %add3A_29 = arith.constant 1 : i32
      %add3A_30 = arith.addi %mul3A_21, %add3A_29 : i32
      %dma_start3A_31 = arith.constant 0 : i32
      %dma_start3A_32 = tpu.memref_slice %arg6[%add3A_30, %dma_start3A_31] : memref<80x125xi32, #tpu.memory_space<vmem>> -> memref<1x125xi32, #tpu.memory_space<vmem>>
      %dma_start3A_33 = tpu.memref_squeeze %dma_start3A_32 : memref<1x125xi32, #tpu.memory_space<vmem>> -> memref<125xi32, #tpu.memory_space<vmem>>
      %dma_start3A_34 = arith.constant 0 : i32
      %dma_start3A_35 = arith.constant 0 : i32
      %dma_start3A_36 = tpu.memref_slice %arg8[%dma_start3A_34, %dma_start3A_35] : memref<10240x128xf32, #tpu.memory_space<vmem_shared>> -> memref<10240x128xf32, #tpu.memory_space<vmem_shared>>
      tpu.enqueue_indirect_dma source(%arg7 : memref<125x128xf32, #tpu.memory_space<vmem>>) target(%dma_start3A_36 : memref<10240x128xf32, #tpu.memory_space<vmem_shared>>) offsets(%dma_start3A_33 : memref<125xi32, #tpu.memory_space<vmem>>) semaphore(%arg9 : memref<!tpu.dma_semaphore, #tpu.memory_space<semaphore_mem>>) {add = true}
      %add3A_37 = arith.constant 2 : i32
      %add3A_38 = arith.addi %mul3A_21, %add3A_37 : i32
      %dma_start3A_39 = arith.constant 0 : i32
      %dma_start3A_40 = tpu.memref_slice %arg6[%add3A_38, %dma_start3A_39] : memref<80x125xi32, #tpu.memory_space<vmem>> -> memref<1x125xi32, #tpu.memory_space<vmem>>
      %dma_start3A_41 = tpu.memref_squeeze %dma_start3A_40 : memref<1x125xi32, #tpu.memory_space<vmem>> -> memref<125xi32, #tpu.memory_space<vmem>>
      %dma_start3A_42 = arith.constant 0 : i32
      %dma_start3A_43 = arith.constant 0 : i32
      %dma_start3A_44 = tpu.memref_slice %arg8[%dma_start3A_42, %dma_start3A_43] : memref<10240x128xf32, #tpu.memory_space<vmem_shared>> -> memref<10240x128xf32, #tpu.memory_space<vmem_shared>>
      tpu.enqueue_indirect_dma source(%arg7 : memref<125x128xf32, #tpu.memory_space<vmem>>) target(%dma_start3A_44 : memref<10240x128xf32, #tpu.memory_space<vmem_shared>>) offsets(%dma_start3A_41 : memref<125xi32, #tpu.memory_space<vmem>>) semaphore(%arg9 : memref<!tpu.dma_semaphore, #tpu.memory_space<semaphore_mem>>) {add = true}
      %add3A_45 = arith.constant 3 : i32
      %add3A_46 = arith.addi %mul3A_21, %add3A_45 : i32
      %dma_start3A_47 = arith.constant 0 : i32
      %dma_start3A_48 = tpu.memref_slice %arg6[%add3A_46, %dma_start3A_47] : memref<80x125xi32, #tpu.memory_space<vmem>> -> memref<1x125xi32, #tpu.memory_space<vmem>>
      %dma_start3A_49 = tpu.memref_squeeze %dma_start3A_48 : memref<1x125xi32, #tpu.memory_space<vmem>> -> memref<125xi32, #tpu.memory_space<vmem>>
      %dma_start3A_50 = arith.constant 0 : i32
      %dma_start3A_51 = arith.constant 0 : i32
      %dma_start3A_52 = tpu.memref_slice %arg8[%dma_start3A_50, %dma_start3A_51] : memref<10240x128xf32, #tpu.memory_space<vmem_shared>> -> memref<10240x128xf32, #tpu.memory_space<vmem_shared>>
      tpu.enqueue_indirect_dma source(%arg7 : memref<125x128xf32, #tpu.memory_space<vmem>>) target(%dma_start3A_52 : memref<10240x128xf32, #tpu.memory_space<vmem_shared>>) offsets(%dma_start3A_49 : memref<125xi32, #tpu.memory_space<vmem>>) semaphore(%arg9 : memref<!tpu.dma_semaphore, #tpu.memory_space<semaphore_mem>>) {add = true}
      %add3A_53 = arith.constant 4 : i32
      %add3A_54 = arith.addi %mul3A_21, %add3A_53 : i32
      %dma_start3A_55 = arith.constant 0 : i32
      %dma_start3A_56 = tpu.memref_slice %arg6[%add3A_54, %dma_start3A_55] : memref<80x125xi32, #tpu.memory_space<vmem>> -> memref<1x125xi32, #tpu.memory_space<vmem>>
      %dma_start3A_57 = tpu.memref_squeeze %dma_start3A_56 : memref<1x125xi32, #tpu.memory_space<vmem>> -> memref<125xi32, #tpu.memory_space<vmem>>
      %dma_start3A_58 = arith.constant 0 : i32
      %dma_start3A_59 = arith.constant 0 : i32
      %dma_start3A_60 = tpu.memref_slice %arg8[%dma_start3A_58, %dma_start3A_59] : memref<10240x128xf32, #tpu.memory_space<vmem_shared>> -> memref<10240x128xf32, #tpu.memory_space<vmem_shared>>
      tpu.enqueue_indirect_dma source(%arg7 : memref<125x128xf32, #tpu.memory_space<vmem>>) target(%dma_start3A_60 : memref<10240x128xf32, #tpu.memory_space<vmem_shared>>) offsets(%dma_start3A_57 : memref<125xi32, #tpu.memory_space<vmem>>) semaphore(%arg9 : memref<!tpu.dma_semaphore, #tpu.memory_space<semaphore_mem>>) {add = true}
      %add3A_61 = arith.constant 5 : i32
      %add3A_62 = arith.addi %mul3A_21, %add3A_61 : i32
      %dma_start3A_63 = arith.constant 0 : i32
      %dma_start3A_64 = tpu.memref_slice %arg6[%add3A_62, %dma_start3A_63] : memref<80x125xi32, #tpu.memory_space<vmem>> -> memref<1x125xi32, #tpu.memory_space<vmem>>
      %dma_start3A_65 = tpu.memref_squeeze %dma_start3A_64 : memref<1x125xi32, #tpu.memory_space<vmem>> -> memref<125xi32, #tpu.memory_space<vmem>>
      %dma_start3A_66 = arith.constant 0 : i32
      %dma_start3A_67 = arith.constant 0 : i32
      %dma_start3A_68 = tpu.memref_slice %arg8[%dma_start3A_66, %dma_start3A_67] : memref<10240x128xf32, #tpu.memory_space<vmem_shared>> -> memref<10240x128xf32, #tpu.memory_space<vmem_shared>>
      tpu.enqueue_indirect_dma source(%arg7 : memref<125x128xf32, #tpu.memory_space<vmem>>) target(%dma_start3A_68 : memref<10240x128xf32, #tpu.memory_space<vmem_shared>>) offsets(%dma_start3A_65 : memref<125xi32, #tpu.memory_space<vmem>>) semaphore(%arg9 : memref<!tpu.dma_semaphore, #tpu.memory_space<semaphore_mem>>) {add = true}
      %add3A_69 = arith.constant 6 : i32
      %add3A_70 = arith.addi %mul3A_21, %add3A_69 : i32
      %dma_start3A_71 = arith.constant 0 : i32
      %dma_start3A_72 = tpu.memref_slice %arg6[%add3A_70, %dma_start3A_71] : memref<80x125xi32, #tpu.memory_space<vmem>> -> memref<1x125xi32, #tpu.memory_space<vmem>>
      %dma_start3A_73 = tpu.memref_squeeze %dma_start3A_72 : memref<1x125xi32, #tpu.memory_space<vmem>> -> memref<125xi32, #tpu.memory_space<vmem>>
      %dma_start3A_74 = arith.constant 0 : i32
      %dma_start3A_75 = arith.constant 0 : i32
      %dma_start3A_76 = tpu.memref_slice %arg8[%dma_start3A_74, %dma_start3A_75] : memref<10240x128xf32, #tpu.memory_space<vmem_shared>> -> memref<10240x128xf32, #tpu.memory_space<vmem_shared>>
      tpu.enqueue_indirect_dma source(%arg7 : memref<125x128xf32, #tpu.memory_space<vmem>>) target(%dma_start3A_76 : memref<10240x128xf32, #tpu.memory_space<vmem_shared>>) offsets(%dma_start3A_73 : memref<125xi32, #tpu.memory_space<vmem>>) semaphore(%arg9 : memref<!tpu.dma_semaphore, #tpu.memory_space<semaphore_mem>>) {add = true}
      %add3A_77 = arith.constant 7 : i32
      %add3A_78 = arith.addi %mul3A_21, %add3A_77 : i32
      %dma_start3A_79 = arith.constant 0 : i32
      %dma_start3A_80 = tpu.memref_slice %arg6[%add3A_78, %dma_start3A_79] : memref<80x125xi32, #tpu.memory_space<vmem>> -> memref<1x125xi32, #tpu.memory_space<vmem>>
      %dma_start3A_81 = tpu.memref_squeeze %dma_start3A_80 : memref<1x125xi32, #tpu.memory_space<vmem>> -> memref<125xi32, #tpu.memory_space<vmem>>
      %dma_start3A_82 = arith.constant 0 : i32
      %dma_start3A_83 = arith.constant 0 : i32
      %dma_start3A_84 = tpu.memref_slice %arg8[%dma_start3A_82, %dma_start3A_83] : memref<10240x128xf32, #tpu.memory_space<vmem_shared>> -> memref<10240x128xf32, #tpu.memory_space<vmem_shared>>
      tpu.enqueue_indirect_dma source(%arg7 : memref<125x128xf32, #tpu.memory_space<vmem>>) target(%dma_start3A_84 : memref<10240x128xf32, #tpu.memory_space<vmem_shared>>) offsets(%dma_start3A_81 : memref<125xi32, #tpu.memory_space<vmem>>) semaphore(%arg9 : memref<!tpu.dma_semaphore, #tpu.memory_space<semaphore_mem>>) {add = true}
      %add3A_85 = arith.constant 8 : i32
      %add3A_86 = arith.addi %mul3A_21, %add3A_85 : i32
      %dma_start3A_87 = arith.constant 0 : i32
      %dma_start3A_88 = tpu.memref_slice %arg6[%add3A_86, %dma_start3A_87] : memref<80x125xi32, #tpu.memory_space<vmem>> -> memref<1x125xi32, #tpu.memory_space<vmem>>
      %dma_start3A_89 = tpu.memref_squeeze %dma_start3A_88 : memref<1x125xi32, #tpu.memory_space<vmem>> -> memref<125xi32, #tpu.memory_space<vmem>>
      %dma_start3A_90 = arith.constant 0 : i32
      %dma_start3A_91 = arith.constant 0 : i32
      %dma_start3A_92 = tpu.memref_slice %arg8[%dma_start3A_90, %dma_start3A_91] : memref<10240x128xf32, #tpu.memory_space<vmem_shared>> -> memref<10240x128xf32, #tpu.memory_space<vmem_shared>>
      tpu.enqueue_indirect_dma source(%arg7 : memref<125x128xf32, #tpu.memory_space<vmem>>) target(%dma_start3A_92 : memref<10240x128xf32, #tpu.memory_space<vmem_shared>>) offsets(%dma_start3A_89 : memref<125xi32, #tpu.memory_space<vmem>>) semaphore(%arg9 : memref<!tpu.dma_semaphore, #tpu.memory_space<semaphore_mem>>) {add = true}
      %add3A_93 = arith.constant 9 : i32
      %add3A_94 = arith.addi %mul3A_21, %add3A_93 : i32
      %dma_start3A_95 = arith.constant 0 : i32
      %dma_start3A_96 = tpu.memref_slice %arg6[%add3A_94, %dma_start3A_95] : memref<80x125xi32, #tpu.memory_space<vmem>> -> memref<1x125xi32, #tpu.memory_space<vmem>>
      %dma_start3A_97 = tpu.memref_squeeze %dma_start3A_96 : memref<1x125xi32, #tpu.memory_space<vmem>> -> memref<125xi32, #tpu.memory_space<vmem>>
      %dma_start3A_98 = arith.constant 0 : i32
      %dma_start3A_99 = arith.constant 0 : i32
      %dma_start3A_100 = tpu.memref_slice %arg8[%dma_start3A_98, %dma_start3A_99] : memref<10240x128xf32, #tpu.memory_space<vmem_shared>> -> memref<10240x128xf32, #tpu.memory_space<vmem_shared>>
      tpu.enqueue_indirect_dma source(%arg7 : memref<125x128xf32, #tpu.memory_space<vmem>>) target(%dma_start3A_100 : memref<10240x128xf32, #tpu.memory_space<vmem_shared>>) offsets(%dma_start3A_97 : memref<125xi32, #tpu.memory_space<vmem>>) semaphore(%arg9 : memref<!tpu.dma_semaphore, #tpu.memory_space<semaphore_mem>>) {add = true}
      %add3A_101 = arith.constant 10 : i32
      %add3A_102 = arith.addi %mul3A_21, %add3A_101 : i32
      %dma_start3A_103 = arith.constant 0 : i32
      %dma_start3A_104 = tpu.memref_slice %arg6[%add3A_102, %dma_start3A_103] : memref<80x125xi32, #tpu.memory_space<vmem>> -> memref<1x125xi32, #tpu.memory_space<vmem>>
      %dma_start3A_105 = tpu.memref_squeeze %dma_start3A_104 : memref<1x125xi32, #tpu.memory_space<vmem>> -> memref<125xi32, #tpu.memory_space<vmem>>
      %dma_start3A_106 = arith.constant 0 : i32
      %dma_start3A_107 = arith.constant 0 : i32
      %dma_start3A_108 = tpu.memref_slice %arg8[%dma_start3A_106, %dma_start3A_107] : memref<10240x128xf32, #tpu.memory_space<vmem_shared>> -> memref<10240x128xf32, #tpu.memory_space<vmem_shared>>
      tpu.enqueue_indirect_dma source(%arg7 : memref<125x128xf32, #tpu.memory_space<vmem>>) target(%dma_start3A_108 : memref<10240x128xf32, #tpu.memory_space<vmem_shared>>) offsets(%dma_start3A_105 : memref<125xi32, #tpu.memory_space<vmem>>) semaphore(%arg9 : memref<!tpu.dma_semaphore, #tpu.memory_space<semaphore_mem>>) {add = true}
      %add3A_109 = arith.constant 11 : i32
      %add3A_110 = arith.addi %mul3A_21, %add3A_109 : i32
      %dma_start3A_111 = arith.constant 0 : i32
      %dma_start3A_112 = tpu.memref_slice %arg6[%add3A_110, %dma_start3A_111] : memref<80x125xi32, #tpu.memory_space<vmem>> -> memref<1x125xi32, #tpu.memory_space<vmem>>
      %dma_start3A_113 = tpu.memref_squeeze %dma_start3A_112 : memref<1x125xi32, #tpu.memory_space<vmem>> -> memref<125xi32, #tpu.memory_space<vmem>>
      %dma_start3A_114 = arith.constant 0 : i32
      %dma_start3A_115 = arith.constant 0 : i32
      %dma_start3A_116 = tpu.memref_slice %arg8[%dma_start3A_114, %dma_start3A_115] : memref<10240x128xf32, #tpu.memory_space<vmem_shared>> -> memref<10240x128xf32, #tpu.memory_space<vmem_shared>>
      tpu.enqueue_indirect_dma source(%arg7 : memref<125x128xf32, #tpu.memory_space<vmem>>) target(%dma_start3A_116 : memref<10240x128xf32, #tpu.memory_space<vmem_shared>>) offsets(%dma_start3A_113 : memref<125xi32, #tpu.memory_space<vmem>>) semaphore(%arg9 : memref<!tpu.dma_semaphore, #tpu.memory_space<semaphore_mem>>) {add = true}
      %add3A_117 = arith.constant 12 : i32
      %add3A_118 = arith.addi %mul3A_21, %add3A_117 : i32
      %dma_start3A_119 = arith.constant 0 : i32
      %dma_start3A_120 = tpu.memref_slice %arg6[%add3A_118, %dma_start3A_119] : memref<80x125xi32, #tpu.memory_space<vmem>> -> memref<1x125xi32, #tpu.memory_space<vmem>>
      %dma_start3A_121 = tpu.memref_squeeze %dma_start3A_120 : memref<1x125xi32, #tpu.memory_space<vmem>> -> memref<125xi32, #tpu.memory_space<vmem>>
      %dma_start3A_122 = arith.constant 0 : i32
      %dma_start3A_123 = arith.constant 0 : i32
      %dma_start3A_124 = tpu.memref_slice %arg8[%dma_start3A_122, %dma_start3A_123] : memref<10240x128xf32, #tpu.memory_space<vmem_shared>> -> memref<10240x128xf32, #tpu.memory_space<vmem_shared>>
      tpu.enqueue_indirect_dma source(%arg7 : memref<125x128xf32, #tpu.memory_space<vmem>>) target(%dma_start3A_124 : memref<10240x128xf32, #tpu.memory_space<vmem_shared>>) offsets(%dma_start3A_121 : memref<125xi32, #tpu.memory_space<vmem>>) semaphore(%arg9 : memref<!tpu.dma_semaphore, #tpu.memory_space<semaphore_mem>>) {add = true}
      %add3A_125 = arith.constant 13 : i32
      %add3A_126 = arith.addi %mul3A_21, %add3A_125 : i32
      %dma_start3A_127 = arith.constant 0 : i32
      %dma_start3A_128 = tpu.memref_slice %arg6[%add3A_126, %dma_start3A_127] : memref<80x125xi32, #tpu.memory_space<vmem>> -> memref<1x125xi32, #tpu.memory_space<vmem>>
      %dma_start3A_129 = tpu.memref_squeeze %dma_start3A_128 : memref<1x125xi32, #tpu.memory_space<vmem>> -> memref<125xi32, #tpu.memory_space<vmem>>
      %dma_start3A_130 = arith.constant 0 : i32
      %dma_start3A_131 = arith.constant 0 : i32
      %dma_start3A_132 = tpu.memref_slice %arg8[%dma_start3A_130, %dma_start3A_131] : memref<10240x128xf32, #tpu.memory_space<vmem_shared>> -> memref<10240x128xf32, #tpu.memory_space<vmem_shared>>
      tpu.enqueue_indirect_dma source(%arg7 : memref<125x128xf32, #tpu.memory_space<vmem>>) target(%dma_start3A_132 : memref<10240x128xf32, #tpu.memory_space<vmem_shared>>) offsets(%dma_start3A_129 : memref<125xi32, #tpu.memory_space<vmem>>) semaphore(%arg9 : memref<!tpu.dma_semaphore, #tpu.memory_space<semaphore_mem>>) {add = true}
      %add3A_133 = arith.constant 14 : i32
      %add3A_134 = arith.addi %mul3A_21, %add3A_133 : i32
      %dma_start3A_135 = arith.constant 0 : i32
      %dma_start3A_136 = tpu.memref_slice %arg6[%add3A_134, %dma_start3A_135] : memref<80x125xi32, #tpu.memory_space<vmem>> -> memref<1x125xi32, #tpu.memory_space<vmem>>
      %dma_start3A_137 = tpu.memref_squeeze %dma_start3A_136 : memref<1x125xi32, #tpu.memory_space<vmem>> -> memref<125xi32, #tpu.memory_space<vmem>>
      %dma_start3A_138 = arith.constant 0 : i32
      %dma_start3A_139 = arith.constant 0 : i32
      %dma_start3A_140 = tpu.memref_slice %arg8[%dma_start3A_138, %dma_start3A_139] : memref<10240x128xf32, #tpu.memory_space<vmem_shared>> -> memref<10240x128xf32, #tpu.memory_space<vmem_shared>>
      tpu.enqueue_indirect_dma source(%arg7 : memref<125x128xf32, #tpu.memory_space<vmem>>) target(%dma_start3A_140 : memref<10240x128xf32, #tpu.memory_space<vmem_shared>>) offsets(%dma_start3A_137 : memref<125xi32, #tpu.memory_space<vmem>>) semaphore(%arg9 : memref<!tpu.dma_semaphore, #tpu.memory_space<semaphore_mem>>) {add = true}
      %add3A_141 = arith.constant 15 : i32
      %add3A_142 = arith.addi %mul3A_21, %add3A_141 : i32
      %dma_start3A_143 = arith.constant 0 : i32
      %dma_start3A_144 = tpu.memref_slice %arg6[%add3A_142, %dma_start3A_143] : memref<80x125xi32, #tpu.memory_space<vmem>> -> memref<1x125xi32, #tpu.memory_space<vmem>>
      %dma_start3A_145 = tpu.memref_squeeze %dma_start3A_144 : memref<1x125xi32, #tpu.memory_space<vmem>> -> memref<125xi32, #tpu.memory_space<vmem>>
      %dma_start3A_146 = arith.constant 0 : i32
      %dma_start3A_147 = arith.constant 0 : i32
      %dma_start3A_148 = tpu.memref_slice %arg8[%dma_start3A_146, %dma_start3A_147] : memref<10240x128xf32, #tpu.memory_space<vmem_shared>> -> memref<10240x128xf32, #tpu.memory_space<vmem_shared>>
      tpu.enqueue_indirect_dma source(%arg7 : memref<125x128xf32, #tpu.memory_space<vmem>>) target(%dma_start3A_148 : memref<10240x128xf32, #tpu.memory_space<vmem_shared>>) offsets(%dma_start3A_145 : memref<125xi32, #tpu.memory_space<vmem>>) semaphore(%arg9 : memref<!tpu.dma_semaphore, #tpu.memory_space<semaphore_mem>>) {add = true}
      %dma_wait3A = arith.constant 0 : i32
      %dma_wait3A_149 = tpu.memref_slice %arg6[%add3A_23, %dma_wait3A] : memref<80x125xi32, #tpu.memory_space<vmem>> -> memref<1x125xi32, #tpu.memory_space<vmem>>
      %dma_wait3A_150 = tpu.memref_squeeze %dma_wait3A_149 : memref<1x125xi32, #tpu.memory_space<vmem>> -> memref<125xi32, #tpu.memory_space<vmem>>
      %dma_wait3A_151 = arith.constant 0 : i32
      %dma_wait3A_152 = arith.constant 0 : i32
      %dma_wait3A_153 = tpu.memref_slice %arg8[%dma_wait3A_151, %dma_wait3A_152] : memref<10240x128xf32, #tpu.memory_space<vmem_shared>> -> memref<10240x128xf32, #tpu.memory_space<vmem_shared>>
      tpu.wait_indirect_dma semaphore(%arg9 : memref<!tpu.dma_semaphore, #tpu.memory_space<semaphore_mem>>) src(%arg7 : memref<125x128xf32, #tpu.memory_space<vmem>>) dst(%dma_wait3A_153 : memref<10240x128xf32, #tpu.memory_space<vmem_shared>>)
      %dma_wait3A_154 = arith.constant 0 : i32
      %dma_wait3A_155 = tpu.memref_slice %arg6[%add3A_30, %dma_wait3A_154] : memref<80x125xi32, #tpu.memory_space<vmem>> -> memref<1x125xi32, #tpu.memory_space<vmem>>
      %dma_wait3A_156 = tpu.memref_squeeze %dma_wait3A_155 : memref<1x125xi32, #tpu.memory_space<vmem>> -> memref<125xi32, #tpu.memory_space<vmem>>
      %dma_wait3A_157 = arith.constant 0 : i32
      %dma_wait3A_158 = arith.constant 0 : i32
      %dma_wait3A_159 = tpu.memref_slice %arg8[%dma_wait3A_157, %dma_wait3A_158] : memref<10240x128xf32, #tpu.memory_space<vmem_shared>> -> memref<10240x128xf32, #tpu.memory_space<vmem_shared>>
      tpu.wait_indirect_dma semaphore(%arg9 : memref<!tpu.dma_semaphore, #tpu.memory_space<semaphore_mem>>) src(%arg7 : memref<125x128xf32, #tpu.memory_space<vmem>>) dst(%dma_wait3A_159 : memref<10240x128xf32, #tpu.memory_space<vmem_shared>>)
      %dma_wait3A_160 = arith.constant 0 : i32
      %dma_wait3A_161 = tpu.memref_slice %arg6[%add3A_38, %dma_wait3A_160] : memref<80x125xi32, #tpu.memory_space<vmem>> -> memref<1x125xi32, #tpu.memory_space<vmem>>
      %dma_wait3A_162 = tpu.memref_squeeze %dma_wait3A_161 : memref<1x125xi32, #tpu.memory_space<vmem>> -> memref<125xi32, #tpu.memory_space<vmem>>
      %dma_wait3A_163 = arith.constant 0 : i32
      %dma_wait3A_164 = arith.constant 0 : i32
      %dma_wait3A_165 = tpu.memref_slice %arg8[%dma_wait3A_163, %dma_wait3A_164] : memref<10240x128xf32, #tpu.memory_space<vmem_shared>> -> memref<10240x128xf32, #tpu.memory_space<vmem_shared>>
      tpu.wait_indirect_dma semaphore(%arg9 : memref<!tpu.dma_semaphore, #tpu.memory_space<semaphore_mem>>) src(%arg7 : memref<125x128xf32, #tpu.memory_space<vmem>>) dst(%dma_wait3A_165 : memref<10240x128xf32, #tpu.memory_space<vmem_shared>>)
      %dma_wait3A_166 = arith.constant 0 : i32
      %dma_wait3A_167 = tpu.memref_slice %arg6[%add3A_46, %dma_wait3A_166] : memref<80x125xi32, #tpu.memory_space<vmem>> -> memref<1x125xi32, #tpu.memory_space<vmem>>
      %dma_wait3A_168 = tpu.memref_squeeze %dma_wait3A_167 : memref<1x125xi32, #tpu.memory_space<vmem>> -> memref<125xi32, #tpu.memory_space<vmem>>
      %dma_wait3A_169 = arith.constant 0 : i32
      %dma_wait3A_170 = arith.constant 0 : i32
      %dma_wait3A_171 = tpu.memref_slice %arg8[%dma_wait3A_169, %dma_wait3A_170] : memref<10240x128xf32, #tpu.memory_space<vmem_shared>> -> memref<10240x128xf32, #tpu.memory_space<vmem_shared>>
      tpu.wait_indirect_dma semaphore(%arg9 : memref<!tpu.dma_semaphore, #tpu.memory_space<semaphore_mem>>) src(%arg7 : memref<125x128xf32, #tpu.memory_space<vmem>>) dst(%dma_wait3A_171 : memref<10240x128xf32, #tpu.memory_space<vmem_shared>>)
      %dma_wait3A_172 = arith.constant 0 : i32
      %dma_wait3A_173 = tpu.memref_slice %arg6[%add3A_54, %dma_wait3A_172] : memref<80x125xi32, #tpu.memory_space<vmem>> -> memref<1x125xi32, #tpu.memory_space<vmem>>
      %dma_wait3A_174 = tpu.memref_squeeze %dma_wait3A_173 : memref<1x125xi32, #tpu.memory_space<vmem>> -> memref<125xi32, #tpu.memory_space<vmem>>
      %dma_wait3A_175 = arith.constant 0 : i32
      %dma_wait3A_176 = arith.constant 0 : i32
      %dma_wait3A_177 = tpu.memref_slice %arg8[%dma_wait3A_175, %dma_wait3A_176] : memref<10240x128xf32, #tpu.memory_space<vmem_shared>> -> memref<10240x128xf32, #tpu.memory_space<vmem_shared>>
      tpu.wait_indirect_dma semaphore(%arg9 : memref<!tpu.dma_semaphore, #tpu.memory_space<semaphore_mem>>) src(%arg7 : memref<125x128xf32, #tpu.memory_space<vmem>>) dst(%dma_wait3A_177 : memref<10240x128xf32, #tpu.memory_space<vmem_shared>>)
      %dma_wait3A_178 = arith.constant 0 : i32
      %dma_wait3A_179 = tpu.memref_slice %arg6[%add3A_62, %dma_wait3A_178] : memref<80x125xi32, #tpu.memory_space<vmem>> -> memref<1x125xi32, #tpu.memory_space<vmem>>
      %dma_wait3A_180 = tpu.memref_squeeze %dma_wait3A_179 : memref<1x125xi32, #tpu.memory_space<vmem>> -> memref<125xi32, #tpu.memory_space<vmem>>
      %dma_wait3A_181 = arith.constant 0 : i32
      %dma_wait3A_182 = arith.constant 0 : i32
      %dma_wait3A_183 = tpu.memref_slice %arg8[%dma_wait3A_181, %dma_wait3A_182] : memref<10240x128xf32, #tpu.memory_space<vmem_shared>> -> memref<10240x128xf32, #tpu.memory_space<vmem_shared>>
      tpu.wait_indirect_dma semaphore(%arg9 : memref<!tpu.dma_semaphore, #tpu.memory_space<semaphore_mem>>) src(%arg7 : memref<125x128xf32, #tpu.memory_space<vmem>>) dst(%dma_wait3A_183 : memref<10240x128xf32, #tpu.memory_space<vmem_shared>>)
      %dma_wait3A_184 = arith.constant 0 : i32
      %dma_wait3A_185 = tpu.memref_slice %arg6[%add3A_70, %dma_wait3A_184] : memref<80x125xi32, #tpu.memory_space<vmem>> -> memref<1x125xi32, #tpu.memory_space<vmem>>
      %dma_wait3A_186 = tpu.memref_squeeze %dma_wait3A_185 : memref<1x125xi32, #tpu.memory_space<vmem>> -> memref<125xi32, #tpu.memory_space<vmem>>
      %dma_wait3A_187 = arith.constant 0 : i32
      %dma_wait3A_188 = arith.constant 0 : i32
      %dma_wait3A_189 = tpu.memref_slice %arg8[%dma_wait3A_187, %dma_wait3A_188] : memref<10240x128xf32, #tpu.memory_space<vmem_shared>> -> memref<10240x128xf32, #tpu.memory_space<vmem_shared>>
      tpu.wait_indirect_dma semaphore(%arg9 : memref<!tpu.dma_semaphore, #tpu.memory_space<semaphore_mem>>) src(%arg7 : memref<125x128xf32, #tpu.memory_space<vmem>>) dst(%dma_wait3A_189 : memref<10240x128xf32, #tpu.memory_space<vmem_shared>>)
      %dma_wait3A_190 = arith.constant 0 : i32
      %dma_wait3A_191 = tpu.memref_slice %arg6[%add3A_78, %dma_wait3A_190] : memref<80x125xi32, #tpu.memory_space<vmem>> -> memref<1x125xi32, #tpu.memory_space<vmem>>
      %dma_wait3A_192 = tpu.memref_squeeze %dma_wait3A_191 : memref<1x125xi32, #tpu.memory_space<vmem>> -> memref<125xi32, #tpu.memory_space<vmem>>
      %dma_wait3A_193 = arith.constant 0 : i32
      %dma_wait3A_194 = arith.constant 0 : i32
      %dma_wait3A_195 = tpu.memref_slice %arg8[%dma_wait3A_193, %dma_wait3A_194] : memref<10240x128xf32, #tpu.memory_space<vmem_shared>> -> memref<10240x128xf32, #tpu.memory_space<vmem_shared>>
      tpu.wait_indirect_dma semaphore(%arg9 : memref<!tpu.dma_semaphore, #tpu.memory_space<semaphore_mem>>) src(%arg7 : memref<125x128xf32, #tpu.memory_space<vmem>>) dst(%dma_wait3A_195 : memref<10240x128xf32, #tpu.memory_space<vmem_shared>>)
      %dma_wait3A_196 = arith.constant 0 : i32
      %dma_wait3A_197 = tpu.memref_slice %arg6[%add3A_86, %dma_wait3A_196] : memref<80x125xi32, #tpu.memory_space<vmem>> -> memref<1x125xi32, #tpu.memory_space<vmem>>
      %dma_wait3A_198 = tpu.memref_squeeze %dma_wait3A_197 : memref<1x125xi32, #tpu.memory_space<vmem>> -> memref<125xi32, #tpu.memory_space<vmem>>
      %dma_wait3A_199 = arith.constant 0 : i32
      %dma_wait3A_200 = arith.constant 0 : i32
      %dma_wait3A_201 = tpu.memref_slice %arg8[%dma_wait3A_199, %dma_wait3A_200] : memref<10240x128xf32, #tpu.memory_space<vmem_shared>> -> memref<10240x128xf32, #tpu.memory_space<vmem_shared>>
      tpu.wait_indirect_dma semaphore(%arg9 : memref<!tpu.dma_semaphore, #tpu.memory_space<semaphore_mem>>) src(%arg7 : memref<125x128xf32, #tpu.memory_space<vmem>>) dst(%dma_wait3A_201 : memref<10240x128xf32, #tpu.memory_space<vmem_shared>>)
      %dma_wait3A_202 = arith.constant 0 : i32
      %dma_wait3A_203 = tpu.memref_slice %arg6[%add3A_94, %dma_wait3A_202] : memref<80x125xi32, #tpu.memory_space<vmem>> -> memref<1x125xi32, #tpu.memory_space<vmem>>
      %dma_wait3A_204 = tpu.memref_squeeze %dma_wait3A_203 : memref<1x125xi32, #tpu.memory_space<vmem>> -> memref<125xi32, #tpu.memory_space<vmem>>
      %dma_wait3A_205 = arith.constant 0 : i32
      %dma_wait3A_206 = arith.constant 0 : i32
      %dma_wait3A_207 = tpu.memref_slice %arg8[%dma_wait3A_205, %dma_wait3A_206] : memref<10240x128xf32, #tpu.memory_space<vmem_shared>> -> memref<10240x128xf32, #tpu.memory_space<vmem_shared>>
      tpu.wait_indirect_dma semaphore(%arg9 : memref<!tpu.dma_semaphore, #tpu.memory_space<semaphore_mem>>) src(%arg7 : memref<125x128xf32, #tpu.memory_space<vmem>>) dst(%dma_wait3A_207 : memref<10240x128xf32, #tpu.memory_space<vmem_shared>>)
      %dma_wait3A_208 = arith.constant 0 : i32
      %dma_wait3A_209 = tpu.memref_slice %arg6[%add3A_102, %dma_wait3A_208] : memref<80x125xi32, #tpu.memory_space<vmem>> -> memref<1x125xi32, #tpu.memory_space<vmem>>
      %dma_wait3A_210 = tpu.memref_squeeze %dma_wait3A_209 : memref<1x125xi32, #tpu.memory_space<vmem>> -> memref<125xi32, #tpu.memory_space<vmem>>
      %dma_wait3A_211 = arith.constant 0 : i32
      %dma_wait3A_212 = arith.constant 0 : i32
      %dma_wait3A_213 = tpu.memref_slice %arg8[%dma_wait3A_211, %dma_wait3A_212] : memref<10240x128xf32, #tpu.memory_space<vmem_shared>> -> memref<10240x128xf32, #tpu.memory_space<vmem_shared>>
      tpu.wait_indirect_dma semaphore(%arg9 : memref<!tpu.dma_semaphore, #tpu.memory_space<semaphore_mem>>) src(%arg7 : memref<125x128xf32, #tpu.memory_space<vmem>>) dst(%dma_wait3A_213 : memref<10240x128xf32, #tpu.memory_space<vmem_shared>>)
      %dma_wait3A_214 = arith.constant 0 : i32
      %dma_wait3A_215 = tpu.memref_slice %arg6[%add3A_110, %dma_wait3A_214] : memref<80x125xi32, #tpu.memory_space<vmem>> -> memref<1x125xi32, #tpu.memory_space<vmem>>
      %dma_wait3A_216 = tpu.memref_squeeze %dma_wait3A_215 : memref<1x125xi32, #tpu.memory_space<vmem>> -> memref<125xi32, #tpu.memory_space<vmem>>
      %dma_wait3A_217 = arith.constant 0 : i32
      %dma_wait3A_218 = arith.constant 0 : i32
      %dma_wait3A_219 = tpu.memref_slice %arg8[%dma_wait3A_217, %dma_wait3A_218] : memref<10240x128xf32, #tpu.memory_space<vmem_shared>> -> memref<10240x128xf32, #tpu.memory_space<vmem_shared>>
      tpu.wait_indirect_dma semaphore(%arg9 : memref<!tpu.dma_semaphore, #tpu.memory_space<semaphore_mem>>) src(%arg7 : memref<125x128xf32, #tpu.memory_space<vmem>>) dst(%dma_wait3A_219 : memref<10240x128xf32, #tpu.memory_space<vmem_shared>>)
      %dma_wait3A_220 = arith.constant 0 : i32
      %dma_wait3A_221 = tpu.memref_slice %arg6[%add3A_118, %dma_wait3A_220] : memref<80x125xi32, #tpu.memory_space<vmem>> -> memref<1x125xi32, #tpu.memory_space<vmem>>
      %dma_wait3A_222 = tpu.memref_squeeze %dma_wait3A_221 : memref<1x125xi32, #tpu.memory_space<vmem>> -> memref<125xi32, #tpu.memory_space<vmem>>
      %dma_wait3A_223 = arith.constant 0 : i32
      %dma_wait3A_224 = arith.constant 0 : i32
      %dma_wait3A_225 = tpu.memref_slice %arg8[%dma_wait3A_223, %dma_wait3A_224] : memref<10240x128xf32, #tpu.memory_space<vmem_shared>> -> memref<10240x128xf32, #tpu.memory_space<vmem_shared>>
      tpu.wait_indirect_dma semaphore(%arg9 : memref<!tpu.dma_semaphore, #tpu.memory_space<semaphore_mem>>) src(%arg7 : memref<125x128xf32, #tpu.memory_space<vmem>>) dst(%dma_wait3A_225 : memref<10240x128xf32, #tpu.memory_space<vmem_shared>>)
      %dma_wait3A_226 = arith.constant 0 : i32
      %dma_wait3A_227 = tpu.memref_slice %arg6[%add3A_126, %dma_wait3A_226] : memref<80x125xi32, #tpu.memory_space<vmem>> -> memref<1x125xi32, #tpu.memory_space<vmem>>
      %dma_wait3A_228 = tpu.memref_squeeze %dma_wait3A_227 : memref<1x125xi32, #tpu.memory_space<vmem>> -> memref<125xi32, #tpu.memory_space<vmem>>
      %dma_wait3A_229 = arith.constant 0 : i32
      %dma_wait3A_230 = arith.constant 0 : i32
      %dma_wait3A_231 = tpu.memref_slice %arg8[%dma_wait3A_229, %dma_wait3A_230] : memref<10240x128xf32, #tpu.memory_space<vmem_shared>> -> memref<10240x128xf32, #tpu.memory_space<vmem_shared>>
      tpu.wait_indirect_dma semaphore(%arg9 : memref<!tpu.dma_semaphore, #tpu.memory_space<semaphore_mem>>) src(%arg7 : memref<125x128xf32, #tpu.memory_space<vmem>>) dst(%dma_wait3A_231 : memref<10240x128xf32, #tpu.memory_space<vmem_shared>>)
      %dma_wait3A_232 = arith.constant 0 : i32
      %dma_wait3A_233 = tpu.memref_slice %arg6[%add3A_134, %dma_wait3A_232] : memref<80x125xi32, #tpu.memory_space<vmem>> -> memref<1x125xi32, #tpu.memory_space<vmem>>
      %dma_wait3A_234 = tpu.memref_squeeze %dma_wait3A_233 : memref<1x125xi32, #tpu.memory_space<vmem>> -> memref<125xi32, #tpu.memory_space<vmem>>
      %dma_wait3A_235 = arith.constant 0 : i32
      %dma_wait3A_236 = arith.constant 0 : i32
      %dma_wait3A_237 = tpu.memref_slice %arg8[%dma_wait3A_235, %dma_wait3A_236] : memref<10240x128xf32, #tpu.memory_space<vmem_shared>> -> memref<10240x128xf32, #tpu.memory_space<vmem_shared>>
      tpu.wait_indirect_dma semaphore(%arg9 : memref<!tpu.dma_semaphore, #tpu.memory_space<semaphore_mem>>) src(%arg7 : memref<125x128xf32, #tpu.memory_space<vmem>>) dst(%dma_wait3A_237 : memref<10240x128xf32, #tpu.memory_space<vmem_shared>>)
      %dma_wait3A_238 = arith.constant 0 : i32
      %dma_wait3A_239 = tpu.memref_slice %arg6[%add3A_142, %dma_wait3A_238] : memref<80x125xi32, #tpu.memory_space<vmem>> -> memref<1x125xi32, #tpu.memory_space<vmem>>
      %dma_wait3A_240 = tpu.memref_squeeze %dma_wait3A_239 : memref<1x125xi32, #tpu.memory_space<vmem>> -> memref<125xi32, #tpu.memory_space<vmem>>
      %dma_wait3A_241 = arith.constant 0 : i32
      %dma_wait3A_242 = arith.constant 0 : i32
      %dma_wait3A_243 = tpu.memref_slice %arg8[%dma_wait3A_241, %dma_wait3A_242] : memref<10240x128xf32, #tpu.memory_space<vmem_shared>> -> memref<10240x128xf32, #tpu.memory_space<vmem_shared>>
      tpu.wait_indirect_dma semaphore(%arg9 : memref<!tpu.dma_semaphore, #tpu.memory_space<semaphore_mem>>) src(%arg7 : memref<125x128xf32, #tpu.memory_space<vmem>>) dst(%dma_wait3A_243 : memref<10240x128xf32, #tpu.memory_space<vmem_shared>>)
      %scan3A_244 = arith.constant 0 : i32
      scf.yield %scan3A_244 : i32
    }
    %scan3A_12 = arith.constant 5 : i32
    %barrier3A_13 = arith.constant 0 : index
    tpu.barrier barrier_id(%barrier3A_13)
    %mul3A_14 = arith.constant 640 : i32
    %mul3A_15 = arith.muli %arg1, %mul3A_14 : i32
    %mul3A_16 = arith.constant 640 : i32
    %mul3A_17 = arith.muli %arg1, %mul3A_16 : i32
    "tpu.region"() ({
      %run_scoped3A = tpu.sem_alloc : memref<!tpu.dma_semaphore, #tpu.memory_space<semaphore_mem>>
      %dma_start3A = arith.constant 0 : i32
      %dma_start3A_18 = arith.constant 0 : i32
      %dma_start3A_19 = tpu.memref_slice %arg5[%arg0, %dma_start3A, %dma_start3A_18] : memref<2x10240x128xf32, #tpu.memory_space<hbm>> -> memref<1x10240x128xf32, #tpu.memory_space<hbm>>
      %dma_start3A_20 = tpu.memref_squeeze %dma_start3A_19 : memref<1x10240x128xf32, #tpu.memory_space<hbm>> -> memref<10240x128xf32, #tpu.memory_space<hbm>>
      %dma_start3A_21 = arith.constant 0 : i32
      %dma_start3A_22 = tpu.memref_slice %dma_start3A_20[%mul3A_17, %dma_start3A_21] : memref<10240x128xf32, #tpu.memory_space<hbm>> -> memref<640x128xf32, #tpu.memory_space<hbm>>
      %dma_start3A_23 = arith.constant 0 : i32
      %dma_start3A_24 = tpu.memref_slice %arg8[%mul3A_15, %dma_start3A_23] : memref<10240x128xf32, #tpu.memory_space<vmem_shared>> -> memref<640x128xf32, #tpu.memory_space<vmem_shared>>
      tpu.enqueue_dma source(%dma_start3A_24 : memref<640x128xf32, #tpu.memory_space<vmem_shared>>) target(%dma_start3A_22 : memref<640x128xf32, #tpu.memory_space<hbm>>) target_semaphore(%run_scoped3A : memref<!tpu.dma_semaphore, #tpu.memory_space<semaphore_mem>>)
      %dma_wait3A = arith.constant 0 : i32
      %dma_wait3A_25 = arith.constant 0 : i32
      %dma_wait3A_26 = tpu.memref_slice %arg5[%arg0, %dma_wait3A, %dma_wait3A_25] : memref<2x10240x128xf32, #tpu.memory_space<hbm>> -> memref<1x10240x128xf32, #tpu.memory_space<hbm>>
      %dma_wait3A_27 = tpu.memref_squeeze %dma_wait3A_26 : memref<1x10240x128xf32, #tpu.memory_space<hbm>> -> memref<10240x128xf32, #tpu.memory_space<hbm>>
      %dma_wait3A_28 = arith.constant 0 : i32
      %dma_wait3A_29 = tpu.memref_slice %dma_wait3A_27[%mul3A_17, %dma_wait3A_28] : memref<10240x128xf32, #tpu.memory_space<hbm>> -> memref<640x128xf32, #tpu.memory_space<hbm>>
      %dma_wait3A_30 = arith.constant 0 : i32
      %dma_wait3A_31 = tpu.memref_slice %arg8[%mul3A_15, %dma_wait3A_30] : memref<10240x128xf32, #tpu.memory_space<vmem_shared>> -> memref<640x128xf32, #tpu.memory_space<vmem_shared>>
      tpu.wait_dma2 semaphore(%run_scoped3A : memref<!tpu.dma_semaphore, #tpu.memory_space<semaphore_mem>>) src(%dma_wait3A_31 : memref<640x128xf32, #tpu.memory_space<vmem_shared>>) dst(%dma_wait3A_29 : memref<640x128xf32, #tpu.memory_space<hbm>>)
      tpu.yield
    }) : () -> ()
    return
  }
}

#map = affine_map<(d0, d1) -> (0, 0)>
#map1 = affine_map<(d0, d1) -> (0, 0, 0)>
module attributes {stable_mosaic.version = 14 : i64} {
  func.func @_sc_propagate(%arg0: i32, %arg1: i32, %arg2: memref<2560x125xi32, #tpu.memory_space<hbm>>, %arg3: memref<2560x125xi32, #tpu.memory_space<hbm>>, %arg4: memref<10000x128xf32, #tpu.memory_space<hbm>>, %arg5: memref<10240x128xf32, #tpu.memory_space<hbm>>, %arg6: memref<2x10240x128xf32, #tpu.memory_space<hbm>>, %arg7: memref<40x125xi32, #tpu.memory_space<vmem>>, %arg8: memref<80x125xi32, #tpu.memory_space<vmem>>, %arg9: memref<125x128xf32, #tpu.memory_space<vmem>>, %arg10: memref<125x128xf32, #tpu.memory_space<vmem>>, %arg11: memref<10240x128xf32, #tpu.memory_space<vmem_shared>>, %arg12: memref<!tpu.dma_semaphore, #tpu.memory_space<semaphore_mem>>, %arg13: memref<!tpu.dma_semaphore, #tpu.memory_space<semaphore_mem>>) attributes {dimension_semantics = [#tpu.dimension_semantics<core_parallel>, #tpu.dimension_semantics<subcore_parallel>], iteration_bounds = array<i64: 2, 16>, scalar_prefetch = 0 : i64, scratch_operands = 7 : i64, tpu.core_type = #tpu.core_type<sc_vector_subcore>, window_params = [{transform_indices = #map}, {transform_indices = #map}, {transform_indices = #map}, {transform_indices = #map}, {transform_indices = #map1}]} {
    %mul3A = arith.constant 16 : i32
    %mul3A_0 = arith.muli %arg0, %mul3A : i32
    %add3A = arith.addi %mul3A_0, %arg1 : i32
    %mul3A_1 = arith.constant 80 : i32
    %mul3A_2 = arith.muli %add3A, %mul3A_1 : i32
    "tpu.region"() ({
      %run_scoped3A = tpu.sem_alloc : memref<!tpu.dma_semaphore, #tpu.memory_space<semaphore_mem>>
      %dma_start3A_87 = arith.constant 0 : i32
      %dma_start3A_88 = tpu.memref_slice %arg3[%mul3A_2, %dma_start3A_87] : memref<2560x125xi32, #tpu.memory_space<hbm>> -> memref<80x125xi32, #tpu.memory_space<hbm>>
      %dma_start3A_89 = arith.constant 0 : i32
      %dma_start3A_90 = tpu.memref_slice %arg3[%mul3A_2, %dma_start3A_89] : memref<2560x125xi32, #tpu.memory_space<hbm>> -> memref<80x125xi32, #tpu.memory_space<hbm>>
      tpu.enqueue_dma source(%dma_start3A_90 : memref<80x125xi32, #tpu.memory_space<hbm>>) target(%arg8 : memref<80x125xi32, #tpu.memory_space<vmem>>) target_semaphore(%run_scoped3A : memref<!tpu.dma_semaphore, #tpu.memory_space<semaphore_mem>>)
      %dma_wait3A_91 = arith.constant 0 : i32
      %dma_wait3A_92 = tpu.memref_slice %arg3[%mul3A_2, %dma_wait3A_91] : memref<2560x125xi32, #tpu.memory_space<hbm>> -> memref<80x125xi32, #tpu.memory_space<hbm>>
      %dma_wait3A_93 = arith.constant 0 : i32
      %dma_wait3A_94 = tpu.memref_slice %arg3[%mul3A_2, %dma_wait3A_93] : memref<2560x125xi32, #tpu.memory_space<hbm>> -> memref<80x125xi32, #tpu.memory_space<hbm>>
      tpu.wait_dma2 semaphore(%run_scoped3A : memref<!tpu.dma_semaphore, #tpu.memory_space<semaphore_mem>>) src(%dma_wait3A_94 : memref<80x125xi32, #tpu.memory_space<hbm>>) dst(%arg8 : memref<80x125xi32, #tpu.memory_space<vmem>>)
      tpu.yield
    }) : () -> ()
    %mul3A_3 = arith.constant 640 : i32
    %mul3A_4 = arith.muli %arg1, %mul3A_3 : i32
    %mul3A_5 = arith.constant 640 : i32
    %mul3A_6 = arith.muli %arg1, %mul3A_5 : i32
    "tpu.region"() ({
      %run_scoped3A = tpu.sem_alloc : memref<!tpu.dma_semaphore, #tpu.memory_space<semaphore_mem>>
      %dma_start3A_87 = arith.constant 0 : i32
      %dma_start3A_88 = tpu.memref_slice %arg11[%mul3A_6, %dma_start3A_87] : memref<10240x128xf32, #tpu.memory_space<vmem_shared>> -> memref<640x128xf32, #tpu.memory_space<vmem_shared>>
      %dma_start3A_89 = arith.constant 0 : i32
      %dma_start3A_90 = tpu.memref_slice %arg5[%mul3A_4, %dma_start3A_89] : memref<10240x128xf32, #tpu.memory_space<hbm>> -> memref<640x128xf32, #tpu.memory_space<hbm>>
      tpu.enqueue_dma source(%dma_start3A_90 : memref<640x128xf32, #tpu.memory_space<hbm>>) target(%dma_start3A_88 : memref<640x128xf32, #tpu.memory_space<vmem_shared>>) target_semaphore(%run_scoped3A : memref<!tpu.dma_semaphore, #tpu.memory_space<semaphore_mem>>)
      %dma_wait3A_91 = arith.constant 0 : i32
      %dma_wait3A_92 = tpu.memref_slice %arg11[%mul3A_6, %dma_wait3A_91] : memref<10240x128xf32, #tpu.memory_space<vmem_shared>> -> memref<640x128xf32, #tpu.memory_space<vmem_shared>>
      %dma_wait3A_93 = arith.constant 0 : i32
      %dma_wait3A_94 = tpu.memref_slice %arg5[%mul3A_4, %dma_wait3A_93] : memref<10240x128xf32, #tpu.memory_space<hbm>> -> memref<640x128xf32, #tpu.memory_space<hbm>>
      tpu.wait_dma2 semaphore(%run_scoped3A : memref<!tpu.dma_semaphore, #tpu.memory_space<semaphore_mem>>) src(%dma_wait3A_94 : memref<640x128xf32, #tpu.memory_space<hbm>>) dst(%dma_wait3A_92 : memref<640x128xf32, #tpu.memory_space<vmem_shared>>)
      tpu.yield
    }) : () -> ()
    %barrier3A = arith.constant 0 : index
    tpu.barrier barrier_id(%barrier3A)
    %mul3A_7 = arith.constant 80 : i32
    %mul3A_8 = arith.muli %add3A, %mul3A_7 : i32
    %add3A_9 = arith.constant 0 : i32
    %add3A_10 = arith.addi %mul3A_8, %add3A_9 : i32
    "tpu.region"() ({
      %run_scoped3A = tpu.sem_alloc : memref<!tpu.dma_semaphore, #tpu.memory_space<semaphore_mem>>
      %dma_start3A_87 = arith.constant 0 : i32
      %dma_start3A_88 = tpu.memref_slice %arg2[%add3A_10, %dma_start3A_87] : memref<2560x125xi32, #tpu.memory_space<hbm>> -> memref<40x125xi32, #tpu.memory_space<hbm>>
      %dma_start3A_89 = arith.constant 0 : i32
      %dma_start3A_90 = tpu.memref_slice %arg2[%add3A_10, %dma_start3A_89] : memref<2560x125xi32, #tpu.memory_space<hbm>> -> memref<40x125xi32, #tpu.memory_space<hbm>>
      tpu.enqueue_dma source(%dma_start3A_90 : memref<40x125xi32, #tpu.memory_space<hbm>>) target(%arg7 : memref<40x125xi32, #tpu.memory_space<vmem>>) target_semaphore(%run_scoped3A : memref<!tpu.dma_semaphore, #tpu.memory_space<semaphore_mem>>)
      %dma_wait3A_91 = arith.constant 0 : i32
      %dma_wait3A_92 = tpu.memref_slice %arg2[%add3A_10, %dma_wait3A_91] : memref<2560x125xi32, #tpu.memory_space<hbm>> -> memref<40x125xi32, #tpu.memory_space<hbm>>
      %dma_wait3A_93 = arith.constant 0 : i32
      %dma_wait3A_94 = tpu.memref_slice %arg2[%add3A_10, %dma_wait3A_93] : memref<2560x125xi32, #tpu.memory_space<hbm>> -> memref<40x125xi32, #tpu.memory_space<hbm>>
      tpu.wait_dma2 semaphore(%run_scoped3A : memref<!tpu.dma_semaphore, #tpu.memory_space<semaphore_mem>>) src(%dma_wait3A_94 : memref<40x125xi32, #tpu.memory_space<hbm>>) dst(%arg7 : memref<40x125xi32, #tpu.memory_space<vmem>>)
      tpu.yield
    }) : () -> ()
    %dma_start3A = arith.constant 0 : i32
    %dma_start3A_11 = arith.constant 0 : i32
    %dma_start3A_12 = tpu.memref_slice %arg7[%dma_start3A, %dma_start3A_11] : memref<40x125xi32, #tpu.memory_space<vmem>> -> memref<1x125xi32, #tpu.memory_space<vmem>>
    %dma_start3A_13 = tpu.memref_squeeze %dma_start3A_12 : memref<1x125xi32, #tpu.memory_space<vmem>> -> memref<125xi32, #tpu.memory_space<vmem>>
    %dma_start3A_14 = arith.constant 0 : i32
    %dma_start3A_15 = arith.constant 0 : i32
    %dma_start3A_16 = tpu.memref_slice %arg4[%dma_start3A_14, %dma_start3A_15] : memref<10000x128xf32, #tpu.memory_space<hbm>> -> memref<10000x128xf32, #tpu.memory_space<hbm>>
    tpu.enqueue_indirect_dma source(%dma_start3A_16 : memref<10000x128xf32, #tpu.memory_space<hbm>>) target(%arg9 : memref<125x128xf32, #tpu.memory_space<vmem>>) offsets(%dma_start3A_13 : memref<125xi32, #tpu.memory_space<vmem>>) semaphore(%arg12 : memref<!tpu.dma_semaphore, #tpu.memory_space<semaphore_mem>>)
    %dma_start3A_17 = arith.constant 1 : i32
    %dma_start3A_18 = arith.constant 0 : i32
    %dma_start3A_19 = tpu.memref_slice %arg7[%dma_start3A_17, %dma_start3A_18] : memref<40x125xi32, #tpu.memory_space<vmem>> -> memref<1x125xi32, #tpu.memory_space<vmem>>
    %dma_start3A_20 = tpu.memref_squeeze %dma_start3A_19 : memref<1x125xi32, #tpu.memory_space<vmem>> -> memref<125xi32, #tpu.memory_space<vmem>>
    %dma_start3A_21 = arith.constant 0 : i32
    %dma_start3A_22 = arith.constant 0 : i32
    %dma_start3A_23 = tpu.memref_slice %arg4[%dma_start3A_21, %dma_start3A_22] : memref<10000x128xf32, #tpu.memory_space<hbm>> -> memref<10000x128xf32, #tpu.memory_space<hbm>>
    tpu.enqueue_indirect_dma source(%dma_start3A_23 : memref<10000x128xf32, #tpu.memory_space<hbm>>) target(%arg10 : memref<125x128xf32, #tpu.memory_space<vmem>>) offsets(%dma_start3A_20 : memref<125xi32, #tpu.memory_space<vmem>>) semaphore(%arg13 : memref<!tpu.dma_semaphore, #tpu.memory_space<semaphore_mem>>)
    %scan3A = arith.constant 0 : i32
    %scan3A_24 = arith.constant 0 : i32
    %scan3A_25 = arith.constant 20 : i32
    %scan3A_26 = arith.addi %scan3A_24, %scan3A_25 : i32
    %scan3A_27 = arith.constant 1 : i32
    %scan3A_28 = scf.for %scan3A_87 = %scan3A_24 to %scan3A_26 step %scan3A_27 iter_args(%scan3A_88 = %scan3A) -> (i32)  : i32 {
      %mul3A_89 = arith.constant 2 : i32
      %mul3A_90 = arith.muli %scan3A_87, %mul3A_89 : i32
      %dma_wait3A_91 = arith.constant 0 : i32
      %dma_wait3A_92 = arith.constant 0 : i32
      %dma_wait3A_93 = tpu.memref_slice %arg7[%dma_wait3A_91, %dma_wait3A_92] : memref<40x125xi32, #tpu.memory_space<vmem>> -> memref<1x125xi32, #tpu.memory_space<vmem>>
      %dma_wait3A_94 = tpu.memref_squeeze %dma_wait3A_93 : memref<1x125xi32, #tpu.memory_space<vmem>> -> memref<125xi32, #tpu.memory_space<vmem>>
      %dma_wait3A_95 = arith.constant 0 : i32
      %dma_wait3A_96 = arith.constant 0 : i32
      %dma_wait3A_97 = tpu.memref_slice %arg4[%dma_wait3A_95, %dma_wait3A_96] : memref<10000x128xf32, #tpu.memory_space<hbm>> -> memref<10000x128xf32, #tpu.memory_space<hbm>>
      tpu.wait_indirect_dma semaphore(%arg12 : memref<!tpu.dma_semaphore, #tpu.memory_space<semaphore_mem>>) src(%dma_wait3A_97 : memref<10000x128xf32, #tpu.memory_space<hbm>>) dst(%arg9 : memref<125x128xf32, #tpu.memory_space<vmem>>)
      %add3A_98 = arith.constant 0 : i32
      %add3A_99 = arith.addi %add3A_98, %mul3A_90 : i32
      %add3A_100 = arith.constant 0 : i32
      %add3A_101 = arith.addi %add3A_99, %add3A_100 : i32
      "tpu.region"() ({
        %run_scoped3A = tpu.sem_alloc : memref<!tpu.dma_semaphore, #tpu.memory_space<semaphore_mem>>
        %dma_start3A_137 = arith.constant 0 : i32
        %dma_start3A_138 = tpu.memref_slice %arg8[%add3A_101, %dma_start3A_137] : memref<80x125xi32, #tpu.memory_space<vmem>> -> memref<1x125xi32, #tpu.memory_space<vmem>>
        %dma_start3A_139 = tpu.memref_squeeze %dma_start3A_138 : memref<1x125xi32, #tpu.memory_space<vmem>> -> memref<125xi32, #tpu.memory_space<vmem>>
        %dma_start3A_140 = arith.constant 0 : i32
        %dma_start3A_141 = arith.constant 0 : i32
        %dma_start3A_142 = tpu.memref_slice %arg11[%dma_start3A_140, %dma_start3A_141] : memref<10240x128xf32, #tpu.memory_space<vmem_shared>> -> memref<10240x128xf32, #tpu.memory_space<vmem_shared>>
        tpu.enqueue_indirect_dma source(%arg9 : memref<125x128xf32, #tpu.memory_space<vmem>>) target(%dma_start3A_142 : memref<10240x128xf32, #tpu.memory_space<vmem_shared>>) offsets(%dma_start3A_139 : memref<125xi32, #tpu.memory_space<vmem>>) semaphore(%run_scoped3A : memref<!tpu.dma_semaphore, #tpu.memory_space<semaphore_mem>>) {add = true}
        %dma_wait3A_143 = arith.constant 0 : i32
        %dma_wait3A_144 = tpu.memref_slice %arg8[%add3A_101, %dma_wait3A_143] : memref<80x125xi32, #tpu.memory_space<vmem>> -> memref<1x125xi32, #tpu.memory_space<vmem>>
        %dma_wait3A_145 = tpu.memref_squeeze %dma_wait3A_144 : memref<1x125xi32, #tpu.memory_space<vmem>> -> memref<125xi32, #tpu.memory_space<vmem>>
        %dma_wait3A_146 = arith.constant 0 : i32
        %dma_wait3A_147 = arith.constant 0 : i32
        %dma_wait3A_148 = tpu.memref_slice %arg11[%dma_wait3A_146, %dma_wait3A_147] : memref<10240x128xf32, #tpu.memory_space<vmem_shared>> -> memref<10240x128xf32, #tpu.memory_space<vmem_shared>>
        tpu.wait_indirect_dma semaphore(%run_scoped3A : memref<!tpu.dma_semaphore, #tpu.memory_space<semaphore_mem>>) src(%arg9 : memref<125x128xf32, #tpu.memory_space<vmem>>) dst(%dma_wait3A_148 : memref<10240x128xf32, #tpu.memory_space<vmem_shared>>)
        tpu.yield
      }) : () -> ()
      %add3A_102 = arith.constant 2 : i32
      %add3A_103 = arith.addi %mul3A_90, %add3A_102 : i32
      %add3A_104 = arith.constant 0 : i32
      %add3A_105 = arith.addi %add3A_103, %add3A_104 : i32
      %min3A = arith.constant 39 : i32
      %min3A_106 = arith.minsi %add3A_105, %min3A : i32
      %dma_start3A_107 = arith.constant 0 : i32
      %dma_start3A_108 = tpu.memref_slice %arg7[%min3A_106, %dma_start3A_107] : memref<40x125xi32, #tpu.memory_space<vmem>> -> memref<1x125xi32, #tpu.memory_space<vmem>>
      %dma_start3A_109 = tpu.memref_squeeze %dma_start3A_108 : memref<1x125xi32, #tpu.memory_space<vmem>> -> memref<125xi32, #tpu.memory_space<vmem>>
      %dma_start3A_110 = arith.constant 0 : i32
      %dma_start3A_111 = arith.constant 0 : i32
      %dma_start3A_112 = tpu.memref_slice %arg4[%dma_start3A_110, %dma_start3A_111] : memref<10000x128xf32, #tpu.memory_space<hbm>> -> memref<10000x128xf32, #tpu.memory_space<hbm>>
      tpu.enqueue_indirect_dma source(%dma_start3A_112 : memref<10000x128xf32, #tpu.memory_space<hbm>>) target(%arg9 : memref<125x128xf32, #tpu.memory_space<vmem>>) offsets(%dma_start3A_109 : memref<125xi32, #tpu.memory_space<vmem>>) semaphore(%arg12 : memref<!tpu.dma_semaphore, #tpu.memory_space<semaphore_mem>>)
      %dma_wait3A_113 = arith.constant 0 : i32
      %dma_wait3A_114 = arith.constant 0 : i32
      %dma_wait3A_115 = tpu.memref_slice %arg7[%dma_wait3A_113, %dma_wait3A_114] : memref<40x125xi32, #tpu.memory_space<vmem>> -> memref<1x125xi32, #tpu.memory_space<vmem>>
      %dma_wait3A_116 = tpu.memref_squeeze %dma_wait3A_115 : memref<1x125xi32, #tpu.memory_space<vmem>> -> memref<125xi32, #tpu.memory_space<vmem>>
      %dma_wait3A_117 = arith.constant 0 : i32
      %dma_wait3A_118 = arith.constant 0 : i32
      %dma_wait3A_119 = tpu.memref_slice %arg4[%dma_wait3A_117, %dma_wait3A_118] : memref<10000x128xf32, #tpu.memory_space<hbm>> -> memref<10000x128xf32, #tpu.memory_space<hbm>>
      tpu.wait_indirect_dma semaphore(%arg13 : memref<!tpu.dma_semaphore, #tpu.memory_space<semaphore_mem>>) src(%dma_wait3A_119 : memref<10000x128xf32, #tpu.memory_space<hbm>>) dst(%arg10 : memref<125x128xf32, #tpu.memory_space<vmem>>)
      %add3A_120 = arith.constant 0 : i32
      %add3A_121 = arith.addi %add3A_120, %mul3A_90 : i32
      %add3A_122 = arith.constant 1 : i32
      %add3A_123 = arith.addi %add3A_121, %add3A_122 : i32
      "tpu.region"() ({
        %run_scoped3A = tpu.sem_alloc : memref<!tpu.dma_semaphore, #tpu.memory_space<semaphore_mem>>
        %dma_start3A_137 = arith.constant 0 : i32
        %dma_start3A_138 = tpu.memref_slice %arg8[%add3A_123, %dma_start3A_137] : memref<80x125xi32, #tpu.memory_space<vmem>> -> memref<1x125xi32, #tpu.memory_space<vmem>>
        %dma_start3A_139 = tpu.memref_squeeze %dma_start3A_138 : memref<1x125xi32, #tpu.memory_space<vmem>> -> memref<125xi32, #tpu.memory_space<vmem>>
        %dma_start3A_140 = arith.constant 0 : i32
        %dma_start3A_141 = arith.constant 0 : i32
        %dma_start3A_142 = tpu.memref_slice %arg11[%dma_start3A_140, %dma_start3A_141] : memref<10240x128xf32, #tpu.memory_space<vmem_shared>> -> memref<10240x128xf32, #tpu.memory_space<vmem_shared>>
        tpu.enqueue_indirect_dma source(%arg10 : memref<125x128xf32, #tpu.memory_space<vmem>>) target(%dma_start3A_142 : memref<10240x128xf32, #tpu.memory_space<vmem_shared>>) offsets(%dma_start3A_139 : memref<125xi32, #tpu.memory_space<vmem>>) semaphore(%run_scoped3A : memref<!tpu.dma_semaphore, #tpu.memory_space<semaphore_mem>>) {add = true}
        %dma_wait3A_143 = arith.constant 0 : i32
        %dma_wait3A_144 = tpu.memref_slice %arg8[%add3A_123, %dma_wait3A_143] : memref<80x125xi32, #tpu.memory_space<vmem>> -> memref<1x125xi32, #tpu.memory_space<vmem>>
        %dma_wait3A_145 = tpu.memref_squeeze %dma_wait3A_144 : memref<1x125xi32, #tpu.memory_space<vmem>> -> memref<125xi32, #tpu.memory_space<vmem>>
        %dma_wait3A_146 = arith.constant 0 : i32
        %dma_wait3A_147 = arith.constant 0 : i32
        %dma_wait3A_148 = tpu.memref_slice %arg11[%dma_wait3A_146, %dma_wait3A_147] : memref<10240x128xf32, #tpu.memory_space<vmem_shared>> -> memref<10240x128xf32, #tpu.memory_space<vmem_shared>>
        tpu.wait_indirect_dma semaphore(%run_scoped3A : memref<!tpu.dma_semaphore, #tpu.memory_space<semaphore_mem>>) src(%arg10 : memref<125x128xf32, #tpu.memory_space<vmem>>) dst(%dma_wait3A_148 : memref<10240x128xf32, #tpu.memory_space<vmem_shared>>)
        tpu.yield
      }) : () -> ()
      %add3A_124 = arith.constant 2 : i32
      %add3A_125 = arith.addi %mul3A_90, %add3A_124 : i32
      %add3A_126 = arith.constant 1 : i32
      %add3A_127 = arith.addi %add3A_125, %add3A_126 : i32
      %min3A_128 = arith.constant 39 : i32
      %min3A_129 = arith.minsi %add3A_127, %min3A_128 : i32
      %dma_start3A_130 = arith.constant 0 : i32
      %dma_start3A_131 = tpu.memref_slice %arg7[%min3A_129, %dma_start3A_130] : memref<40x125xi32, #tpu.memory_space<vmem>> -> memref<1x125xi32, #tpu.memory_space<vmem>>
      %dma_start3A_132 = tpu.memref_squeeze %dma_start3A_131 : memref<1x125xi32, #tpu.memory_space<vmem>> -> memref<125xi32, #tpu.memory_space<vmem>>
      %dma_start3A_133 = arith.constant 0 : i32
      %dma_start3A_134 = arith.constant 0 : i32
      %dma_start3A_135 = tpu.memref_slice %arg4[%dma_start3A_133, %dma_start3A_134] : memref<10000x128xf32, #tpu.memory_space<hbm>> -> memref<10000x128xf32, #tpu.memory_space<hbm>>
      tpu.enqueue_indirect_dma source(%dma_start3A_135 : memref<10000x128xf32, #tpu.memory_space<hbm>>) target(%arg10 : memref<125x128xf32, #tpu.memory_space<vmem>>) offsets(%dma_start3A_132 : memref<125xi32, #tpu.memory_space<vmem>>) semaphore(%arg13 : memref<!tpu.dma_semaphore, #tpu.memory_space<semaphore_mem>>)
      %scan3A_136 = arith.constant 0 : i32
      scf.yield %scan3A_136 : i32
    }
    %scan3A_29 = arith.constant 20 : i32
    %dma_wait3A = arith.constant 0 : i32
    %dma_wait3A_30 = arith.constant 0 : i32
    %dma_wait3A_31 = tpu.memref_slice %arg7[%dma_wait3A, %dma_wait3A_30] : memref<40x125xi32, #tpu.memory_space<vmem>> -> memref<1x125xi32, #tpu.memory_space<vmem>>
    %dma_wait3A_32 = tpu.memref_squeeze %dma_wait3A_31 : memref<1x125xi32, #tpu.memory_space<vmem>> -> memref<125xi32, #tpu.memory_space<vmem>>
    %dma_wait3A_33 = arith.constant 0 : i32
    %dma_wait3A_34 = arith.constant 0 : i32
    %dma_wait3A_35 = tpu.memref_slice %arg4[%dma_wait3A_33, %dma_wait3A_34] : memref<10000x128xf32, #tpu.memory_space<hbm>> -> memref<10000x128xf32, #tpu.memory_space<hbm>>
    tpu.wait_indirect_dma semaphore(%arg12 : memref<!tpu.dma_semaphore, #tpu.memory_space<semaphore_mem>>) src(%dma_wait3A_35 : memref<10000x128xf32, #tpu.memory_space<hbm>>) dst(%arg9 : memref<125x128xf32, #tpu.memory_space<vmem>>)
    %dma_wait3A_36 = arith.constant 0 : i32
    %dma_wait3A_37 = arith.constant 0 : i32
    %dma_wait3A_38 = tpu.memref_slice %arg7[%dma_wait3A_36, %dma_wait3A_37] : memref<40x125xi32, #tpu.memory_space<vmem>> -> memref<1x125xi32, #tpu.memory_space<vmem>>
    %dma_wait3A_39 = tpu.memref_squeeze %dma_wait3A_38 : memref<1x125xi32, #tpu.memory_space<vmem>> -> memref<125xi32, #tpu.memory_space<vmem>>
    %dma_wait3A_40 = arith.constant 0 : i32
    %dma_wait3A_41 = arith.constant 0 : i32
    %dma_wait3A_42 = tpu.memref_slice %arg4[%dma_wait3A_40, %dma_wait3A_41] : memref<10000x128xf32, #tpu.memory_space<hbm>> -> memref<10000x128xf32, #tpu.memory_space<hbm>>
    tpu.wait_indirect_dma semaphore(%arg13 : memref<!tpu.dma_semaphore, #tpu.memory_space<semaphore_mem>>) src(%dma_wait3A_42 : memref<10000x128xf32, #tpu.memory_space<hbm>>) dst(%arg10 : memref<125x128xf32, #tpu.memory_space<vmem>>)
    %mul3A_43 = arith.constant 80 : i32
    %mul3A_44 = arith.muli %add3A, %mul3A_43 : i32
    %add3A_45 = arith.constant 40 : i32
    %add3A_46 = arith.addi %mul3A_44, %add3A_45 : i32
    "tpu.region"() ({
      %run_scoped3A = tpu.sem_alloc : memref<!tpu.dma_semaphore, #tpu.memory_space<semaphore_mem>>
      %dma_start3A_87 = arith.constant 0 : i32
      %dma_start3A_88 = tpu.memref_slice %arg2[%add3A_46, %dma_start3A_87] : memref<2560x125xi32, #tpu.memory_space<hbm>> -> memref<40x125xi32, #tpu.memory_space<hbm>>
      %dma_start3A_89 = arith.constant 0 : i32
      %dma_start3A_90 = tpu.memref_slice %arg2[%add3A_46, %dma_start3A_89] : memref<2560x125xi32, #tpu.memory_space<hbm>> -> memref<40x125xi32, #tpu.memory_space<hbm>>
      tpu.enqueue_dma source(%dma_start3A_90 : memref<40x125xi32, #tpu.memory_space<hbm>>) target(%arg7 : memref<40x125xi32, #tpu.memory_space<vmem>>) target_semaphore(%run_scoped3A : memref<!tpu.dma_semaphore, #tpu.memory_space<semaphore_mem>>)
      %dma_wait3A_91 = arith.constant 0 : i32
      %dma_wait3A_92 = tpu.memref_slice %arg2[%add3A_46, %dma_wait3A_91] : memref<2560x125xi32, #tpu.memory_space<hbm>> -> memref<40x125xi32, #tpu.memory_space<hbm>>
      %dma_wait3A_93 = arith.constant 0 : i32
      %dma_wait3A_94 = tpu.memref_slice %arg2[%add3A_46, %dma_wait3A_93] : memref<2560x125xi32, #tpu.memory_space<hbm>> -> memref<40x125xi32, #tpu.memory_space<hbm>>
      tpu.wait_dma2 semaphore(%run_scoped3A : memref<!tpu.dma_semaphore, #tpu.memory_space<semaphore_mem>>) src(%dma_wait3A_94 : memref<40x125xi32, #tpu.memory_space<hbm>>) dst(%arg7 : memref<40x125xi32, #tpu.memory_space<vmem>>)
      tpu.yield
    }) : () -> ()
    %dma_start3A_47 = arith.constant 0 : i32
    %dma_start3A_48 = arith.constant 0 : i32
    %dma_start3A_49 = tpu.memref_slice %arg7[%dma_start3A_47, %dma_start3A_48] : memref<40x125xi32, #tpu.memory_space<vmem>> -> memref<1x125xi32, #tpu.memory_space<vmem>>
    %dma_start3A_50 = tpu.memref_squeeze %dma_start3A_49 : memref<1x125xi32, #tpu.memory_space<vmem>> -> memref<125xi32, #tpu.memory_space<vmem>>
    %dma_start3A_51 = arith.constant 0 : i32
    %dma_start3A_52 = arith.constant 0 : i32
    %dma_start3A_53 = tpu.memref_slice %arg4[%dma_start3A_51, %dma_start3A_52] : memref<10000x128xf32, #tpu.memory_space<hbm>> -> memref<10000x128xf32, #tpu.memory_space<hbm>>
    tpu.enqueue_indirect_dma source(%dma_start3A_53 : memref<10000x128xf32, #tpu.memory_space<hbm>>) target(%arg9 : memref<125x128xf32, #tpu.memory_space<vmem>>) offsets(%dma_start3A_50 : memref<125xi32, #tpu.memory_space<vmem>>) semaphore(%arg12 : memref<!tpu.dma_semaphore, #tpu.memory_space<semaphore_mem>>)
    %dma_start3A_54 = arith.constant 1 : i32
    %dma_start3A_55 = arith.constant 0 : i32
    %dma_start3A_56 = tpu.memref_slice %arg7[%dma_start3A_54, %dma_start3A_55] : memref<40x125xi32, #tpu.memory_space<vmem>> -> memref<1x125xi32, #tpu.memory_space<vmem>>
    %dma_start3A_57 = tpu.memref_squeeze %dma_start3A_56 : memref<1x125xi32, #tpu.memory_space<vmem>> -> memref<125xi32, #tpu.memory_space<vmem>>
    %dma_start3A_58 = arith.constant 0 : i32
    %dma_start3A_59 = arith.constant 0 : i32
    %dma_start3A_60 = tpu.memref_slice %arg4[%dma_start3A_58, %dma_start3A_59] : memref<10000x128xf32, #tpu.memory_space<hbm>> -> memref<10000x128xf32, #tpu.memory_space<hbm>>
    tpu.enqueue_indirect_dma source(%dma_start3A_60 : memref<10000x128xf32, #tpu.memory_space<hbm>>) target(%arg10 : memref<125x128xf32, #tpu.memory_space<vmem>>) offsets(%dma_start3A_57 : memref<125xi32, #tpu.memory_space<vmem>>) semaphore(%arg13 : memref<!tpu.dma_semaphore, #tpu.memory_space<semaphore_mem>>)
    %scan3A_61 = arith.constant 0 : i32
    %scan3A_62 = arith.constant 0 : i32
    %scan3A_63 = arith.constant 20 : i32
    %scan3A_64 = arith.addi %scan3A_62, %scan3A_63 : i32
    %scan3A_65 = arith.constant 1 : i32
    %scan3A_66 = scf.for %scan3A_87 = %scan3A_62 to %scan3A_64 step %scan3A_65 iter_args(%scan3A_88 = %scan3A_61) -> (i32)  : i32 {
      %mul3A_89 = arith.constant 2 : i32
      %mul3A_90 = arith.muli %scan3A_87, %mul3A_89 : i32
      %dma_wait3A_91 = arith.constant 0 : i32
      %dma_wait3A_92 = arith.constant 0 : i32
      %dma_wait3A_93 = tpu.memref_slice %arg7[%dma_wait3A_91, %dma_wait3A_92] : memref<40x125xi32, #tpu.memory_space<vmem>> -> memref<1x125xi32, #tpu.memory_space<vmem>>
      %dma_wait3A_94 = tpu.memref_squeeze %dma_wait3A_93 : memref<1x125xi32, #tpu.memory_space<vmem>> -> memref<125xi32, #tpu.memory_space<vmem>>
      %dma_wait3A_95 = arith.constant 0 : i32
      %dma_wait3A_96 = arith.constant 0 : i32
      %dma_wait3A_97 = tpu.memref_slice %arg4[%dma_wait3A_95, %dma_wait3A_96] : memref<10000x128xf32, #tpu.memory_space<hbm>> -> memref<10000x128xf32, #tpu.memory_space<hbm>>
      tpu.wait_indirect_dma semaphore(%arg12 : memref<!tpu.dma_semaphore, #tpu.memory_space<semaphore_mem>>) src(%dma_wait3A_97 : memref<10000x128xf32, #tpu.memory_space<hbm>>) dst(%arg9 : memref<125x128xf32, #tpu.memory_space<vmem>>)
      %add3A_98 = arith.constant 40 : i32
      %add3A_99 = arith.addi %add3A_98, %mul3A_90 : i32
      %add3A_100 = arith.constant 0 : i32
      %add3A_101 = arith.addi %add3A_99, %add3A_100 : i32
      "tpu.region"() ({
        %run_scoped3A = tpu.sem_alloc : memref<!tpu.dma_semaphore, #tpu.memory_space<semaphore_mem>>
        %dma_start3A_137 = arith.constant 0 : i32
        %dma_start3A_138 = tpu.memref_slice %arg8[%add3A_101, %dma_start3A_137] : memref<80x125xi32, #tpu.memory_space<vmem>> -> memref<1x125xi32, #tpu.memory_space<vmem>>
        %dma_start3A_139 = tpu.memref_squeeze %dma_start3A_138 : memref<1x125xi32, #tpu.memory_space<vmem>> -> memref<125xi32, #tpu.memory_space<vmem>>
        %dma_start3A_140 = arith.constant 0 : i32
        %dma_start3A_141 = arith.constant 0 : i32
        %dma_start3A_142 = tpu.memref_slice %arg11[%dma_start3A_140, %dma_start3A_141] : memref<10240x128xf32, #tpu.memory_space<vmem_shared>> -> memref<10240x128xf32, #tpu.memory_space<vmem_shared>>
        tpu.enqueue_indirect_dma source(%arg9 : memref<125x128xf32, #tpu.memory_space<vmem>>) target(%dma_start3A_142 : memref<10240x128xf32, #tpu.memory_space<vmem_shared>>) offsets(%dma_start3A_139 : memref<125xi32, #tpu.memory_space<vmem>>) semaphore(%run_scoped3A : memref<!tpu.dma_semaphore, #tpu.memory_space<semaphore_mem>>) {add = true}
        %dma_wait3A_143 = arith.constant 0 : i32
        %dma_wait3A_144 = tpu.memref_slice %arg8[%add3A_101, %dma_wait3A_143] : memref<80x125xi32, #tpu.memory_space<vmem>> -> memref<1x125xi32, #tpu.memory_space<vmem>>
        %dma_wait3A_145 = tpu.memref_squeeze %dma_wait3A_144 : memref<1x125xi32, #tpu.memory_space<vmem>> -> memref<125xi32, #tpu.memory_space<vmem>>
        %dma_wait3A_146 = arith.constant 0 : i32
        %dma_wait3A_147 = arith.constant 0 : i32
        %dma_wait3A_148 = tpu.memref_slice %arg11[%dma_wait3A_146, %dma_wait3A_147] : memref<10240x128xf32, #tpu.memory_space<vmem_shared>> -> memref<10240x128xf32, #tpu.memory_space<vmem_shared>>
        tpu.wait_indirect_dma semaphore(%run_scoped3A : memref<!tpu.dma_semaphore, #tpu.memory_space<semaphore_mem>>) src(%arg9 : memref<125x128xf32, #tpu.memory_space<vmem>>) dst(%dma_wait3A_148 : memref<10240x128xf32, #tpu.memory_space<vmem_shared>>)
        tpu.yield
      }) : () -> ()
      %add3A_102 = arith.constant 2 : i32
      %add3A_103 = arith.addi %mul3A_90, %add3A_102 : i32
      %add3A_104 = arith.constant 0 : i32
      %add3A_105 = arith.addi %add3A_103, %add3A_104 : i32
      %min3A = arith.constant 39 : i32
      %min3A_106 = arith.minsi %add3A_105, %min3A : i32
      %dma_start3A_107 = arith.constant 0 : i32
      %dma_start3A_108 = tpu.memref_slice %arg7[%min3A_106, %dma_start3A_107] : memref<40x125xi32, #tpu.memory_space<vmem>> -> memref<1x125xi32, #tpu.memory_space<vmem>>
      %dma_start3A_109 = tpu.memref_squeeze %dma_start3A_108 : memref<1x125xi32, #tpu.memory_space<vmem>> -> memref<125xi32, #tpu.memory_space<vmem>>
      %dma_start3A_110 = arith.constant 0 : i32
      %dma_start3A_111 = arith.constant 0 : i32
      %dma_start3A_112 = tpu.memref_slice %arg4[%dma_start3A_110, %dma_start3A_111] : memref<10000x128xf32, #tpu.memory_space<hbm>> -> memref<10000x128xf32, #tpu.memory_space<hbm>>
      tpu.enqueue_indirect_dma source(%dma_start3A_112 : memref<10000x128xf32, #tpu.memory_space<hbm>>) target(%arg9 : memref<125x128xf32, #tpu.memory_space<vmem>>) offsets(%dma_start3A_109 : memref<125xi32, #tpu.memory_space<vmem>>) semaphore(%arg12 : memref<!tpu.dma_semaphore, #tpu.memory_space<semaphore_mem>>)
      %dma_wait3A_113 = arith.constant 0 : i32
      %dma_wait3A_114 = arith.constant 0 : i32
      %dma_wait3A_115 = tpu.memref_slice %arg7[%dma_wait3A_113, %dma_wait3A_114] : memref<40x125xi32, #tpu.memory_space<vmem>> -> memref<1x125xi32, #tpu.memory_space<vmem>>
      %dma_wait3A_116 = tpu.memref_squeeze %dma_wait3A_115 : memref<1x125xi32, #tpu.memory_space<vmem>> -> memref<125xi32, #tpu.memory_space<vmem>>
      %dma_wait3A_117 = arith.constant 0 : i32
      %dma_wait3A_118 = arith.constant 0 : i32
      %dma_wait3A_119 = tpu.memref_slice %arg4[%dma_wait3A_117, %dma_wait3A_118] : memref<10000x128xf32, #tpu.memory_space<hbm>> -> memref<10000x128xf32, #tpu.memory_space<hbm>>
      tpu.wait_indirect_dma semaphore(%arg13 : memref<!tpu.dma_semaphore, #tpu.memory_space<semaphore_mem>>) src(%dma_wait3A_119 : memref<10000x128xf32, #tpu.memory_space<hbm>>) dst(%arg10 : memref<125x128xf32, #tpu.memory_space<vmem>>)
      %add3A_120 = arith.constant 40 : i32
      %add3A_121 = arith.addi %add3A_120, %mul3A_90 : i32
      %add3A_122 = arith.constant 1 : i32
      %add3A_123 = arith.addi %add3A_121, %add3A_122 : i32
      "tpu.region"() ({
        %run_scoped3A = tpu.sem_alloc : memref<!tpu.dma_semaphore, #tpu.memory_space<semaphore_mem>>
        %dma_start3A_137 = arith.constant 0 : i32
        %dma_start3A_138 = tpu.memref_slice %arg8[%add3A_123, %dma_start3A_137] : memref<80x125xi32, #tpu.memory_space<vmem>> -> memref<1x125xi32, #tpu.memory_space<vmem>>
        %dma_start3A_139 = tpu.memref_squeeze %dma_start3A_138 : memref<1x125xi32, #tpu.memory_space<vmem>> -> memref<125xi32, #tpu.memory_space<vmem>>
        %dma_start3A_140 = arith.constant 0 : i32
        %dma_start3A_141 = arith.constant 0 : i32
        %dma_start3A_142 = tpu.memref_slice %arg11[%dma_start3A_140, %dma_start3A_141] : memref<10240x128xf32, #tpu.memory_space<vmem_shared>> -> memref<10240x128xf32, #tpu.memory_space<vmem_shared>>
        tpu.enqueue_indirect_dma source(%arg10 : memref<125x128xf32, #tpu.memory_space<vmem>>) target(%dma_start3A_142 : memref<10240x128xf32, #tpu.memory_space<vmem_shared>>) offsets(%dma_start3A_139 : memref<125xi32, #tpu.memory_space<vmem>>) semaphore(%run_scoped3A : memref<!tpu.dma_semaphore, #tpu.memory_space<semaphore_mem>>) {add = true}
        %dma_wait3A_143 = arith.constant 0 : i32
        %dma_wait3A_144 = tpu.memref_slice %arg8[%add3A_123, %dma_wait3A_143] : memref<80x125xi32, #tpu.memory_space<vmem>> -> memref<1x125xi32, #tpu.memory_space<vmem>>
        %dma_wait3A_145 = tpu.memref_squeeze %dma_wait3A_144 : memref<1x125xi32, #tpu.memory_space<vmem>> -> memref<125xi32, #tpu.memory_space<vmem>>
        %dma_wait3A_146 = arith.constant 0 : i32
        %dma_wait3A_147 = arith.constant 0 : i32
        %dma_wait3A_148 = tpu.memref_slice %arg11[%dma_wait3A_146, %dma_wait3A_147] : memref<10240x128xf32, #tpu.memory_space<vmem_shared>> -> memref<10240x128xf32, #tpu.memory_space<vmem_shared>>
        tpu.wait_indirect_dma semaphore(%run_scoped3A : memref<!tpu.dma_semaphore, #tpu.memory_space<semaphore_mem>>) src(%arg10 : memref<125x128xf32, #tpu.memory_space<vmem>>) dst(%dma_wait3A_148 : memref<10240x128xf32, #tpu.memory_space<vmem_shared>>)
        tpu.yield
      }) : () -> ()
      %add3A_124 = arith.constant 2 : i32
      %add3A_125 = arith.addi %mul3A_90, %add3A_124 : i32
      %add3A_126 = arith.constant 1 : i32
      %add3A_127 = arith.addi %add3A_125, %add3A_126 : i32
      %min3A_128 = arith.constant 39 : i32
      %min3A_129 = arith.minsi %add3A_127, %min3A_128 : i32
      %dma_start3A_130 = arith.constant 0 : i32
      %dma_start3A_131 = tpu.memref_slice %arg7[%min3A_129, %dma_start3A_130] : memref<40x125xi32, #tpu.memory_space<vmem>> -> memref<1x125xi32, #tpu.memory_space<vmem>>
      %dma_start3A_132 = tpu.memref_squeeze %dma_start3A_131 : memref<1x125xi32, #tpu.memory_space<vmem>> -> memref<125xi32, #tpu.memory_space<vmem>>
      %dma_start3A_133 = arith.constant 0 : i32
      %dma_start3A_134 = arith.constant 0 : i32
      %dma_start3A_135 = tpu.memref_slice %arg4[%dma_start3A_133, %dma_start3A_134] : memref<10000x128xf32, #tpu.memory_space<hbm>> -> memref<10000x128xf32, #tpu.memory_space<hbm>>
      tpu.enqueue_indirect_dma source(%dma_start3A_135 : memref<10000x128xf32, #tpu.memory_space<hbm>>) target(%arg10 : memref<125x128xf32, #tpu.memory_space<vmem>>) offsets(%dma_start3A_132 : memref<125xi32, #tpu.memory_space<vmem>>) semaphore(%arg13 : memref<!tpu.dma_semaphore, #tpu.memory_space<semaphore_mem>>)
      %scan3A_136 = arith.constant 0 : i32
      scf.yield %scan3A_136 : i32
    }
    %scan3A_67 = arith.constant 20 : i32
    %dma_wait3A_68 = arith.constant 0 : i32
    %dma_wait3A_69 = arith.constant 0 : i32
    %dma_wait3A_70 = tpu.memref_slice %arg7[%dma_wait3A_68, %dma_wait3A_69] : memref<40x125xi32, #tpu.memory_space<vmem>> -> memref<1x125xi32, #tpu.memory_space<vmem>>
    %dma_wait3A_71 = tpu.memref_squeeze %dma_wait3A_70 : memref<1x125xi32, #tpu.memory_space<vmem>> -> memref<125xi32, #tpu.memory_space<vmem>>
    %dma_wait3A_72 = arith.constant 0 : i32
    %dma_wait3A_73 = arith.constant 0 : i32
    %dma_wait3A_74 = tpu.memref_slice %arg4[%dma_wait3A_72, %dma_wait3A_73] : memref<10000x128xf32, #tpu.memory_space<hbm>> -> memref<10000x128xf32, #tpu.memory_space<hbm>>
    tpu.wait_indirect_dma semaphore(%arg12 : memref<!tpu.dma_semaphore, #tpu.memory_space<semaphore_mem>>) src(%dma_wait3A_74 : memref<10000x128xf32, #tpu.memory_space<hbm>>) dst(%arg9 : memref<125x128xf32, #tpu.memory_space<vmem>>)
    %dma_wait3A_75 = arith.constant 0 : i32
    %dma_wait3A_76 = arith.constant 0 : i32
    %dma_wait3A_77 = tpu.memref_slice %arg7[%dma_wait3A_75, %dma_wait3A_76] : memref<40x125xi32, #tpu.memory_space<vmem>> -> memref<1x125xi32, #tpu.memory_space<vmem>>
    %dma_wait3A_78 = tpu.memref_squeeze %dma_wait3A_77 : memref<1x125xi32, #tpu.memory_space<vmem>> -> memref<125xi32, #tpu.memory_space<vmem>>
    %dma_wait3A_79 = arith.constant 0 : i32
    %dma_wait3A_80 = arith.constant 0 : i32
    %dma_wait3A_81 = tpu.memref_slice %arg4[%dma_wait3A_79, %dma_wait3A_80] : memref<10000x128xf32, #tpu.memory_space<hbm>> -> memref<10000x128xf32, #tpu.memory_space<hbm>>
    tpu.wait_indirect_dma semaphore(%arg13 : memref<!tpu.dma_semaphore, #tpu.memory_space<semaphore_mem>>) src(%dma_wait3A_81 : memref<10000x128xf32, #tpu.memory_space<hbm>>) dst(%arg10 : memref<125x128xf32, #tpu.memory_space<vmem>>)
    %barrier3A_82 = arith.constant 0 : index
    tpu.barrier barrier_id(%barrier3A_82)
    %mul3A_83 = arith.constant 640 : i32
    %mul3A_84 = arith.muli %arg1, %mul3A_83 : i32
    %mul3A_85 = arith.constant 640 : i32
    %mul3A_86 = arith.muli %arg1, %mul3A_85 : i32
    "tpu.region"() ({
      %run_scoped3A = tpu.sem_alloc : memref<!tpu.dma_semaphore, #tpu.memory_space<semaphore_mem>>
      %dma_start3A_87 = arith.constant 0 : i32
      %dma_start3A_88 = arith.constant 0 : i32
      %dma_start3A_89 = tpu.memref_slice %arg6[%arg0, %dma_start3A_87, %dma_start3A_88] : memref<2x10240x128xf32, #tpu.memory_space<hbm>> -> memref<1x10240x128xf32, #tpu.memory_space<hbm>>
      %dma_start3A_90 = tpu.memref_squeeze %dma_start3A_89 : memref<1x10240x128xf32, #tpu.memory_space<hbm>> -> memref<10240x128xf32, #tpu.memory_space<hbm>>
      %dma_start3A_91 = arith.constant 0 : i32
      %dma_start3A_92 = tpu.memref_slice %dma_start3A_90[%mul3A_86, %dma_start3A_91] : memref<10240x128xf32, #tpu.memory_space<hbm>> -> memref<640x128xf32, #tpu.memory_space<hbm>>
      %dma_start3A_93 = arith.constant 0 : i32
      %dma_start3A_94 = tpu.memref_slice %arg11[%mul3A_84, %dma_start3A_93] : memref<10240x128xf32, #tpu.memory_space<vmem_shared>> -> memref<640x128xf32, #tpu.memory_space<vmem_shared>>
      tpu.enqueue_dma source(%dma_start3A_94 : memref<640x128xf32, #tpu.memory_space<vmem_shared>>) target(%dma_start3A_92 : memref<640x128xf32, #tpu.memory_space<hbm>>) target_semaphore(%run_scoped3A : memref<!tpu.dma_semaphore, #tpu.memory_space<semaphore_mem>>)
      %dma_wait3A_95 = arith.constant 0 : i32
      %dma_wait3A_96 = arith.constant 0 : i32
      %dma_wait3A_97 = tpu.memref_slice %arg6[%arg0, %dma_wait3A_95, %dma_wait3A_96] : memref<2x10240x128xf32, #tpu.memory_space<hbm>> -> memref<1x10240x128xf32, #tpu.memory_space<hbm>>
      %dma_wait3A_98 = tpu.memref_squeeze %dma_wait3A_97 : memref<1x10240x128xf32, #tpu.memory_space<hbm>> -> memref<10240x128xf32, #tpu.memory_space<hbm>>
      %dma_wait3A_99 = arith.constant 0 : i32
      %dma_wait3A_100 = tpu.memref_slice %dma_wait3A_98[%mul3A_86, %dma_wait3A_99] : memref<10240x128xf32, #tpu.memory_space<hbm>> -> memref<640x128xf32, #tpu.memory_space<hbm>>
      %dma_wait3A_101 = arith.constant 0 : i32
      %dma_wait3A_102 = tpu.memref_slice %arg11[%mul3A_84, %dma_wait3A_101] : memref<10240x128xf32, #tpu.memory_space<vmem_shared>> -> memref<640x128xf32, #tpu.memory_space<vmem_shared>>
      tpu.wait_dma2 semaphore(%run_scoped3A : memref<!tpu.dma_semaphore, #tpu.memory_space<semaphore_mem>>) src(%dma_wait3A_102 : memref<640x128xf32, #tpu.memory_space<vmem_shared>>) dst(%dma_wait3A_100 : memref<640x128xf32, #tpu.memory_space<hbm>>)
      tpu.yield
    }) : () -> ()
    return
  }
}

module attributes {stable_mosaic.version = 14 : i64} {
  func.func @_tc_prologue_body(%arg0: memref<10000x128xf32, #tpu.memory_space<vmem>>, %arg1: memref<2x10240x128xf32, #tpu.memory_space<vmem>>, %arg2: memref<10000x128xf32, #tpu.memory_space<vmem>>, %arg3: memref<10000x1xf32, #tpu.memory_space<vmem>>) attributes {dimension_semantics = [], scalar_prefetch = 0 : i64, scratch_operands = 0 : i64, tpu.core_type = #tpu.core_type<tc>} {
    %get3A = arith.constant 0 : index
    %get3A_0 = arith.constant 0 : index
    %get3A_1 = arith.constant 0 : index
    %get3A_2 = vector.load %arg1[%get3A, %get3A_0, %get3A_1] : memref<2x10240x128xf32, #tpu.memory_space<vmem>>, vector<1x10240x1xf32>
    %get3A_3 = vector.shape_cast %get3A_2 : vector<1x10240x1xf32> to vector<10240x1xf32>
    %get3A_4 = arith.constant 1 : index
    %get3A_5 = arith.constant 0 : index
    %get3A_6 = arith.constant 0 : index
    %get3A_7 = vector.load %arg1[%get3A_4, %get3A_5, %get3A_6] : memref<2x10240x128xf32, #tpu.memory_space<vmem>>, vector<1x10240x1xf32>
    %get3A_8 = vector.shape_cast %get3A_7 : vector<1x10240x1xf32> to vector<10240x1xf32>
    %add3A = arith.addf %get3A_3, %get3A_8 : vector<10240x1xf32>
    %slice3A = vector.extract_strided_slice %add3A {offsets = [0, 0], sizes = [10000, 1], strides = [1, 1]} : vector<10240x1xf32> to vector<10000x1xf32>
    %add3A_9 = arith.constant 1.000000e+00 : f32
    %add3A_10 = vector.broadcast %add3A_9 : f32 to vector<10000x1xf32>
    %add3A_11 = arith.addf %slice3A, %add3A_10 : vector<10000x1xf32>
    %rsqrt3A = math.rsqrt %add3A_11 : vector<10000x1xf32>
    %swap3A = arith.constant 0 : index
    %swap3A_12 = arith.constant 0 : index
    %swap3A_13 = vector.load %arg3[%swap3A, %swap3A_12] : memref<10000x1xf32, #tpu.memory_space<vmem>>, vector<10000x1xf32>
    tpu.vector_store %arg3[%swap3A, %swap3A_12], %rsqrt3A {strides = array<i32>} : memref<10000x1xf32, #tpu.memory_space<vmem>>, vector<10000x1xf32>,
    %get3A_14 = arith.constant 0 : index
    %get3A_15 = arith.constant 0 : index
    %get3A_16 = vector.load %arg0[%get3A_14, %get3A_15] : memref<10000x128xf32, #tpu.memory_space<vmem>>, vector<10000x128xf32>
    %mul3A = vector.broadcast %rsqrt3A : vector<10000x1xf32> to vector<10000x128xf32>
    %mul3A_17 = arith.mulf %get3A_16, %mul3A : vector<10000x128xf32>
    %swap3A_18 = arith.constant 0 : index
    %swap3A_19 = arith.constant 0 : index
    %swap3A_20 = vector.load %arg2[%swap3A_18, %swap3A_19] : memref<10000x128xf32, #tpu.memory_space<vmem>>, vector<10000x128xf32>
    tpu.vector_store %arg2[%swap3A_18, %swap3A_19], %mul3A_17 {strides = array<i32>} : memref<10000x128xf32, #tpu.memory_space<vmem>>, vector<10000x128xf32>,
    return
  }
}

module attributes {stable_mosaic.version = 14 : i64} {
  func.func @_tc_epilogue_body(%arg0: i32, %arg1: memref<2x1000x128xf32, #tpu.memory_space<vmem>>, %arg2: memref<1000x128xf32, #tpu.memory_space<vmem>>, %arg3: memref<1000x1xf32, #tpu.memory_space<vmem>>, %arg4: memref<128x128xf32, #tpu.memory_space<vmem>>, %arg5: memref<1x128xf32, #tpu.memory_space<vmem>>, %arg6: memref<128x128xf32, #tpu.memory_space<vmem>>, %arg7: memref<1x128xf32, #tpu.memory_space<vmem>>, %arg8: memref<128x128xf32, #tpu.memory_space<vmem>>, %arg9: memref<1x128xf32, #tpu.memory_space<vmem>>, %arg10: memref<128x128xf32, #tpu.memory_space<vmem>>, %arg11: memref<1x128xf32, #tpu.memory_space<vmem>>, %arg12: memref<128x64xf32, #tpu.memory_space<vmem>>, %arg13: memref<1x64xf32, #tpu.memory_space<vmem>>, %arg14: memref<1000x64xf32, #tpu.memory_space<vmem>>) attributes {dimension_semantics = [#tpu.dimension_semantics<arbitrary>], iteration_bounds = array<i64: 10>, scalar_prefetch = 0 : i64, scratch_operands = 0 : i64, tpu.core_type = #tpu.core_type<tc>, window_params = [{transform_indices = @transform_0, window_bounds = array<i64: 2, 1000, 128>}, {transform_indices = @transform_1, window_bounds = array<i64: 1000, 128>}, {transform_indices = @transform_2, window_bounds = array<i64: 1000, 1>}, {pipeline_mode = #tpu.pipeline_mode<synchronous>, transform_indices = @transform_3, window_bounds = array<i64: 128, 128>}, {pipeline_mode = #tpu.pipeline_mode<synchronous>, transform_indices = @transform_4, window_bounds = array<i64: 1, 128>}, {pipeline_mode = #tpu.pipeline_mode<synchronous>, transform_indices = @transform_5, window_bounds = array<i64: 128, 128>}, {pipeline_mode = #tpu.pipeline_mode<synchronous>, transform_indices = @transform_6, window_bounds = array<i64: 1, 128>}, {pipeline_mode = #tpu.pipeline_mode<synchronous>, transform_indices = @transform_7, window_bounds = array<i64: 128, 128>}, {pipeline_mode = #tpu.pipeline_mode<synchronous>, transform_indices = @transform_8, window_bounds = array<i64: 1, 128>}, {pipeline_mode = #tpu.pipeline_mode<synchronous>, transform_indices = @transform_9, window_bounds = array<i64: 128, 128>}, {pipeline_mode = #tpu.pipeline_mode<synchronous>, transform_indices = @transform_10, window_bounds = array<i64: 1, 128>}, {pipeline_mode = #tpu.pipeline_mode<synchronous>, transform_indices = @transform_11, window_bounds = array<i64: 128, 64>}, {pipeline_mode = #tpu.pipeline_mode<synchronous>, transform_indices = @transform_12, window_bounds = array<i64: 1, 64>}, {transform_indices = @transform_13, window_bounds = array<i64: 1000, 64>}]} {
    %get3A = arith.constant 0 : index
    %get3A_0 = arith.constant 0 : index
    %get3A_1 = arith.constant 0 : index
    %get3A_2 = vector.load %arg1[%get3A, %get3A_0, %get3A_1] : memref<2x1000x128xf32, #tpu.memory_space<vmem>>, vector<1x1000x128xf32>
    %get3A_3 = vector.shape_cast %get3A_2 : vector<1x1000x128xf32> to vector<1000x128xf32>
    %get3A_4 = arith.constant 1 : index
    %get3A_5 = arith.constant 0 : index
    %get3A_6 = arith.constant 0 : index
    %get3A_7 = vector.load %arg1[%get3A_4, %get3A_5, %get3A_6] : memref<2x1000x128xf32, #tpu.memory_space<vmem>>, vector<1x1000x128xf32>
    %get3A_8 = vector.shape_cast %get3A_7 : vector<1x1000x128xf32> to vector<1000x128xf32>
    %add3A = arith.addf %get3A_3, %get3A_8 : vector<1000x128xf32>
    %get3A_9 = arith.constant 0 : index
    %get3A_10 = arith.constant 0 : index
    %get3A_11 = vector.load %arg2[%get3A_9, %get3A_10] : memref<1000x128xf32, #tpu.memory_space<vmem>>, vector<1000x128xf32>
    %add3A_12 = arith.addf %add3A, %get3A_11 : vector<1000x128xf32>
    %get3A_13 = arith.constant 0 : index
    %get3A_14 = arith.constant 0 : index
    %get3A_15 = vector.load %arg3[%get3A_13, %get3A_14] : memref<1000x1xf32, #tpu.memory_space<vmem>>, vector<1000x1xf32>
    %mul3A = vector.broadcast %get3A_15 : vector<1000x1xf32> to vector<1000x128xf32>
    %mul3A_16 = arith.mulf %add3A_12, %mul3A : vector<1000x128xf32>
    %get3A_17 = arith.constant 0 : index
    %get3A_18 = arith.constant 0 : index
    %get3A_19 = vector.load %arg4[%get3A_17, %get3A_18] : memref<128x128xf32, #tpu.memory_space<vmem>>, vector<128x128xf32>
    %dot_general3A = arith.constant dense<0.000000e+00> : vector<1000x128xf32>
    %dot_general3A_20 = tpu.matmul %mul3A_16, %get3A_19, %dot_general3A {dimension_numbers = #tpu.dot_dimension_numbers<[1], [0], [0], [1], [0, 0, 1, 1], [], []>, transpose_lhs_hint = false} : vector<1000x128xf32>, vector<128x128xf32>, vector<1000x128xf32> -> vector<1000x128xf32>
    %get3A_21 = arith.constant 0 : index
    %get3A_22 = arith.constant 0 : index
    %get3A_23 = vector.load %arg5[%get3A_21, %get3A_22] : memref<1x128xf32, #tpu.memory_space<vmem>>, vector<1x128xf32>
    %add3A_24 = vector.broadcast %get3A_23 : vector<1x128xf32> to vector<1000x128xf32>
    %add3A_25 = arith.addf %dot_general3A_20, %add3A_24 : vector<1000x128xf32>
    %get3A_26 = arith.constant 0 : index
    %get3A_27 = arith.constant 0 : index
    %get3A_28 = vector.load %arg6[%get3A_26, %get3A_27] : memref<128x128xf32, #tpu.memory_space<vmem>>, vector<128x128xf32>
    %dot_general3A_29 = arith.constant dense<0.000000e+00> : vector<1000x128xf32>
    %dot_general3A_30 = tpu.matmul %add3A_25, %get3A_28, %dot_general3A_29 {dimension_numbers = #tpu.dot_dimension_numbers<[1], [0], [0], [1], [0, 0, 1, 1], [], []>, transpose_lhs_hint = false} : vector<1000x128xf32>, vector<128x128xf32>, vector<1000x128xf32> -> vector<1000x128xf32>
    %get3A_31 = arith.constant 0 : index
    %get3A_32 = arith.constant 0 : index
    %get3A_33 = vector.load %arg7[%get3A_31, %get3A_32] : memref<1x128xf32, #tpu.memory_space<vmem>>, vector<1x128xf32>
    %add3A_34 = vector.broadcast %get3A_33 : vector<1x128xf32> to vector<1000x128xf32>
    %add3A_35 = arith.addf %dot_general3A_30, %add3A_34 : vector<1000x128xf32>
    %logistic3A = arith.negf %add3A_35 : vector<1000x128xf32>
    %logistic3A_36 = math.exp %logistic3A : vector<1000x128xf32>
    %logistic3A_37 = arith.constant 1.000000e+00 : f32
    %logistic3A_38 = vector.broadcast %logistic3A_37 : f32 to vector<1000x128xf32>
    %logistic3A_39 = arith.addf %logistic3A_38, %logistic3A_36 : vector<1000x128xf32>
    %logistic3A_40 = arith.divf %logistic3A_38, %logistic3A_39 : vector<1000x128xf32>
    %get3A_41 = arith.constant 0 : index
    %get3A_42 = arith.constant 0 : index
    %get3A_43 = vector.load %arg8[%get3A_41, %get3A_42] : memref<128x128xf32, #tpu.memory_space<vmem>>, vector<128x128xf32>
    %dot_general3A_44 = arith.constant dense<0.000000e+00> : vector<1000x128xf32>
    %dot_general3A_45 = tpu.matmul %mul3A_16, %get3A_43, %dot_general3A_44 {dimension_numbers = #tpu.dot_dimension_numbers<[1], [0], [0], [1], [0, 0, 1, 1], [], []>, transpose_lhs_hint = false} : vector<1000x128xf32>, vector<128x128xf32>, vector<1000x128xf32> -> vector<1000x128xf32>
    %get3A_46 = arith.constant 0 : index
    %get3A_47 = arith.constant 0 : index
    %get3A_48 = vector.load %arg9[%get3A_46, %get3A_47] : memref<1x128xf32, #tpu.memory_space<vmem>>, vector<1x128xf32>
    %add3A_49 = vector.broadcast %get3A_48 : vector<1x128xf32> to vector<1000x128xf32>
    %add3A_50 = arith.addf %dot_general3A_45, %add3A_49 : vector<1000x128xf32>
    %get3A_51 = arith.constant 0 : index
    %get3A_52 = arith.constant 0 : index
    %get3A_53 = vector.load %arg10[%get3A_51, %get3A_52] : memref<128x128xf32, #tpu.memory_space<vmem>>, vector<128x128xf32>
    %dot_general3A_54 = arith.constant dense<0.000000e+00> : vector<1000x128xf32>
    %dot_general3A_55 = tpu.matmul %add3A_50, %get3A_53, %dot_general3A_54 {dimension_numbers = #tpu.dot_dimension_numbers<[1], [0], [0], [1], [0, 0, 1, 1], [], []>, transpose_lhs_hint = false} : vector<1000x128xf32>, vector<128x128xf32>, vector<1000x128xf32> -> vector<1000x128xf32>
    %get3A_56 = arith.constant 0 : index
    %get3A_57 = arith.constant 0 : index
    %get3A_58 = vector.load %arg11[%get3A_56, %get3A_57] : memref<1x128xf32, #tpu.memory_space<vmem>>, vector<1x128xf32>
    %add3A_59 = vector.broadcast %get3A_58 : vector<1x128xf32> to vector<1000x128xf32>
    %add3A_60 = arith.addf %dot_general3A_55, %add3A_59 : vector<1000x128xf32>
    %tanh3A = math.tanh %add3A_60 : vector<1000x128xf32>
    %sub3A = arith.constant 1.000000e+00 : f32
    %sub3A_61 = vector.broadcast %sub3A : f32 to vector<1000x128xf32>
    %sub3A_62 = arith.subf %sub3A_61, %logistic3A_40 : vector<1000x128xf32>
    %mul3A_63 = arith.mulf %sub3A_62, %tanh3A : vector<1000x128xf32>
    %get3A_64 = arith.constant 0 : index
    %get3A_65 = arith.constant 0 : index
    %get3A_66 = vector.load %arg12[%get3A_64, %get3A_65] : memref<128x64xf32, #tpu.memory_space<vmem>>, vector<128x64xf32>
    %dot_general3A_67 = arith.constant dense<0.000000e+00> : vector<1000x64xf32>
    %dot_general3A_68 = tpu.matmul %mul3A_63, %get3A_66, %dot_general3A_67 {dimension_numbers = #tpu.dot_dimension_numbers<[1], [0], [0], [1], [0, 0, 1, 1], [], []>, transpose_lhs_hint = false} : vector<1000x128xf32>, vector<128x64xf32>, vector<1000x64xf32> -> vector<1000x64xf32>
    %get3A_69 = arith.constant 0 : index
    %get3A_70 = arith.constant 0 : index
    %get3A_71 = vector.load %arg13[%get3A_69, %get3A_70] : memref<1x64xf32, #tpu.memory_space<vmem>>, vector<1x64xf32>
    %add3A_72 = vector.broadcast %get3A_71 : vector<1x64xf32> to vector<1000x64xf32>
    %add3A_73 = arith.addf %dot_general3A_68, %add3A_72 : vector<1000x64xf32>
    %swap3A = arith.constant 0 : index
    %swap3A_74 = arith.constant 0 : index
    %swap3A_75 = vector.load %arg14[%swap3A, %swap3A_74] : memref<1000x64xf32, #tpu.memory_space<vmem>>, vector<1000x64xf32>
    tpu.vector_store %arg14[%swap3A, %swap3A_74], %add3A_73 {strides = array<i32>} : memref<1000x64xf32, #tpu.memory_space<vmem>>, vector<1000x64xf32>,
    return
  }
  func.func @transform_0(%arg0: i32) -> (i32, i32, i32) {
    %c0_i32 = arith.constant 0 : i32
    %c0_i32_0 = arith.constant 0 : i32
    %c0_i32_1 = arith.constant 0 : i32
    return %c0_i32, %arg0, %c0_i32_0 : i32, i32, i32
  }
  func.func @transform_1(%arg0: i32) -> (i32, i32) {
    %c0_i32 = arith.constant 0 : i32
    %c0_i32_0 = arith.constant 0 : i32
    return %arg0, %c0_i32 : i32, i32
  }
  func.func @transform_2(%arg0: i32) -> (i32, i32) {
    %c0_i32 = arith.constant 0 : i32
    %c0_i32_0 = arith.constant 0 : i32
    return %arg0, %c0_i32 : i32, i32
  }
  func.func @transform_3(%arg0: i32) -> (i32, i32) {
    %c0_i32 = arith.constant 0 : i32
    %c0_i32_0 = arith.constant 0 : i32
    %c0_i32_1 = arith.constant 0 : i32
    return %c0_i32, %c0_i32_0 : i32, i32
  }
  func.func @transform_4(%arg0: i32) -> (i32, i32) {
    %c0_i32 = arith.constant 0 : i32
    %c0_i32_0 = arith.constant 0 : i32
    %c0_i32_1 = arith.constant 0 : i32
    return %c0_i32, %c0_i32_0 : i32, i32
  }
  func.func @transform_5(%arg0: i32) -> (i32, i32) {
    %c0_i32 = arith.constant 0 : i32
    %c0_i32_0 = arith.constant 0 : i32
    %c0_i32_1 = arith.constant 0 : i32
    return %c0_i32, %c0_i32_0 : i32, i32
  }
  func.func @transform_6(%arg0: i32) -> (i32, i32) {
    %c0_i32 = arith.constant 0 : i32
    %c0_i32_0 = arith.constant 0 : i32
    %c0_i32_1 = arith.constant 0 : i32
    return %c0_i32, %c0_i32_0 : i32, i32
  }
  func.func @transform_7(%arg0: i32) -> (i32, i32) {
    %c0_i32 = arith.constant 0 : i32
    %c0_i32_0 = arith.constant 0 : i32
    %c0_i32_1 = arith.constant 0 : i32
    return %c0_i32, %c0_i32_0 : i32, i32
  }
  func.func @transform_8(%arg0: i32) -> (i32, i32) {
    %c0_i32 = arith.constant 0 : i32
    %c0_i32_0 = arith.constant 0 : i32
    %c0_i32_1 = arith.constant 0 : i32
    return %c0_i32, %c0_i32_0 : i32, i32
  }
  func.func @transform_9(%arg0: i32) -> (i32, i32) {
    %c0_i32 = arith.constant 0 : i32
    %c0_i32_0 = arith.constant 0 : i32
    %c0_i32_1 = arith.constant 0 : i32
    return %c0_i32, %c0_i32_0 : i32, i32
  }
  func.func @transform_10(%arg0: i32) -> (i32, i32) {
    %c0_i32 = arith.constant 0 : i32
    %c0_i32_0 = arith.constant 0 : i32
    %c0_i32_1 = arith.constant 0 : i32
    return %c0_i32, %c0_i32_0 : i32, i32
  }
  func.func @transform_11(%arg0: i32) -> (i32, i32) {
    %c0_i32 = arith.constant 0 : i32
    %c0_i32_0 = arith.constant 0 : i32
    %c0_i32_1 = arith.constant 0 : i32
    return %c0_i32, %c0_i32_0 : i32, i32
  }
  func.func @transform_12(%arg0: i32) -> (i32, i32) {
    %c0_i32 = arith.constant 0 : i32
    %c0_i32_0 = arith.constant 0 : i32
    %c0_i32_1 = arith.constant 0 : i32
    return %c0_i32, %c0_i32_0 : i32, i32
  }
  func.func @transform_13(%arg0: i32) -> (i32, i32) {
    %c0_i32 = arith.constant 0 : i32
    %c0_i32_0 = arith.constant 0 : i32
    return %arg0, %c0_i32 : i32, i32
  }
}

</mosaic_0001>

<sc_bundles>
// kernel: kernel.6.cloned.1.call-start
scs
__scs_entry_jumppad:
0x0: {  	(pc) =	sbr.rel $0x88, $3  }
0x1: {  	(tag) =	ssettag $0x0;
	lr =	simm.s32 $0x1  }
0x2: {  	[smem:$0x3F95] =	sst lr;
	_ =	strace $0xD0000000  }
0x3: {  	_ = 	snop  }
0x4: {  	_ = 	snop  }
0x5: {  	_ = 	snop  }
0x6: {  	_ = 	snop  }
0x7: {  	_ = 	snop  }
__scs_overlays_trampoline_lowered:
0x8: {  	[smem:$0x3FA4] =	sst s0  }
0x9: {  	[smem:$0x3FA5] =	sst s1  }
0xa: {  	[smem:$0x3FA6] =	sst s2  }
0xb: {  	[smem:$0x3FA7] =	sst s3  }
0xc: {  	[smem:$0x3FA8] =	sst s4  }
0xd: {  	[smem:$0x3FA9] =	sst s5  }
0xe: {  	[smem:$0x3FAA] =	sst s6  }
0xf: {  	[smem:$0x3FAB] =	sst s7  }
0x10: {  	[smem:$0x3FAC] =	sst s8  }
0x11: {  	[smem:$0x3FAD] =	sst s9;
	s0 =	simm.s32 @!p0 $0x0  }
0x12: {  	s1 =	sld [smem:$0x3F93];
	s0 =	simm.s32 @p0 $0x1  }
0x13: {  	[smem:$0x3FAE] =	sst s0;
	s0 =	simm.s32 @!p1 $0x0  }
0x14: {  	s2 =	sld [smem:$0x3F92];
	s0 =	simm.s32 @p1 $0x1  }
0x15: {  	[smem:$0x3FAF] =	sst s0;
	s0 =	simm.s32 @!p2 $0x0  }
0x16: {  	s3 =	sld [smem:$0x3FDB];
	s0 =	simm.s32 @p2 $0x1  }
0x17: {  	s4 =	simm.s32 $0x1BF5;
	[smem:$0x3FB1] =	sst s0  }
0x18: {  	s0 =	sld [smem:$0x3F94];
	_ =	swait.ge [sflag:s4], $0x0  }
0x19: {  	s7 =	sld [smem:$0x3F95]  }
0x1a: {  	s8 =	sadd.s32 $0xFFFFE003, lr  }
0x1b: {  	s9 =	sadd.s32 $0xFFFFFEF7, lr;
	s5 =	simm.s32 $0xFFFFFFFF;
	p2 =	slt.u32 s8, $0xFFFFF086  }
0x1c: {  	p1 =	slt.u32 s9, $0xF7A;
	s5 =	simm.s32 @!p2 $0x0  }
0x1d: {  	s5 =	simm.s32 @p1 $0x1;
	p0 =	seq.s32 s7, s2  }
0x1e: {  	s7 =	smul.u32 @!p0 $0xF7A, s2;
	p2 =	seq.s32 @!p0 s5, $0x0  }
0x1f: {  	s9 =	smul.u32 $0xF7A, s1;
	s8 =	simm.s32 @!p0 $0x1BF5;
	p2 =	por !p2, p0  }
0x20: {  	[sflag:s8] =	ssyncset.s32 @!p0 $0xFFFFF086;
	s6 =	sadd.s32 @!p0 s3, s7;
	s7 =	simm.s32 @!p0 $0x108  }
0x21: {  	s3 =	sadd.s32 s3, s9;
	s6 =	sadd.s32 @!p0 $0x88, s6;
	s7 =	simm.s32 @p2 $0x1082  }
0x22: {  	[simem:s7], [sflag:s8] =	dma.local @!p0 [hbm:s6], $0xF7A  }
0x23: {  	s9 =	sor.u32 $0xD0000000, s2;
	s6 =	simm.s32 $0x108;
	_ =	swait.ge @!p0 [sflag:s8], $0x0  }
0x24: {  	s3 =	sadd.s32 $0x88, s3;
	s6 =	simm.s32 @!p1 $0x1082;
	[sflag:s4] =	ssyncset.s32 $0xFFFFF086  }
0x25: {  	[simem:s6], [sflag:s4] =	dma.local [hbm:s3], $0xF7A  }
0x26: {  	[smem:$0x3F95] =	sst s1;
	(tag) =	ssettag s2;
	_ =	strace s9  }
0x27: {  	s1 =	sld [smem:$0x3FA5]  }
0x28: {  	s2 =	sld [smem:$0x3FA6]  }
0x29: {  	s4 =	sld [smem:$0x3FA8]  }
0x2a: {  	p0 =	seq.s32 s5, $0x0;
	s5 =	sld [smem:$0x3FA9]  }
0x2b: {  	s6 =	sld [smem:$0x3FAA]  }
0x2c: {  	s7 =	sld [smem:$0x3FAB]  }
0x2d: {  	s3 =	simm.s32 $0x108;
	s8 =	sld [smem:$0x3FAC]  }
0x2e: {  	s3 =	simm.s32 @!p0 $0x1082;
	s9 =	sld [smem:$0x3FAD]  }
0x2f: {  	lr =	sadd.s32 s0, s3;
	s0 =	sld [smem:$0x3FA4]  }
0x30: {  	s3 =	sld [smem:$0x3FA7]  }
0x31: {  	[smem:$0x3FB0] =	sst s10  }
0x32: {  	s10 =	sld [smem:$0x3FAE];
	_ =	sdelay $0x3  }
0x33: {  	p0 =	seq.s32 s10, $0x1;
	s10 =	sld [smem:$0x3FB0];
	_ =	sdelay $0x3  }
0x34: {  	[smem:$0x3FB0] =	sst s10  }
0x35: {  	s10 =	sld [smem:$0x3FAF];
	_ =	sdelay $0x3  }
0x36: {  	p1 =	seq.s32 s10, $0x1;
	s10 =	sld [smem:$0x3FB0];
	_ =	sdelay $0x3  }
0x37: {  	[smem:$0x3FB0] =	sst s10  }
0x38: {  	s10 =	sld [smem:$0x3FB1]  }
0x39: {  	_ = 	snop;
	(pc) =	sbr.ind lr, $3  }
0x3a: {  	_ = 	snop  }
0x3b: {  	_ = 	snop  }
0x3c: {  	p2 =	seq.s32 s10, $0x1;
	s10 =	sld [smem:$0x3FB0]  }
0x3d: {  	_ =	shalt  }
0x3e: {  	_ =	shalt  }
0x3f: {  	_ =	shalt  }
0x40: {  	_ =	shalt  }
0x41: {  	_ =	shalt  }
0x42: {  	_ =	shalt  }
0x43: {  	_ =	shalt  }
0x44: {  	_ =	shalt  }
0x45: {  	_ =	shalt  }
0x46: {  	_ =	shalt  }
0x47: {  	_ =	shalt  }
0x48: {  	_ =	shalt  }
0x49: {  	_ =	shalt  }
0x4a: {  	_ =	shalt  }
0x4b: {  	_ =	shalt  }
0x4c: {  	_ =	shalt  }
0x4d: {  	_ =	shalt  }
0x4e: {  	_ =	shalt  }
0x4f: {  	_ =	shalt  }
0x50: {  	_ =	shalt  }
0x51: {  	_ =	shalt  }
0x52: {  	_ =	shalt  }
0x53: {  	_ =	shalt  }
0x54: {  	_ =	shalt  }
0x55: {  	_ =	shalt  }
0x56: {  	_ =	shalt  }
0x57: {  	_ =	shalt  }
0x58: {  	_ =	shalt  }
0x59: {  	_ =	shalt  }
0x5a: {  	_ =	shalt  }
0x5b: {  	_ =	shalt  }
0x5c: {  	_ =	shalt  }
0x5d: {  	_ =	shalt  }
0x5e: {  	_ =	shalt  }
0x5f: {  	_ =	shalt  }
0x60: {  	_ =	shalt  }
0x61: {  	_ =	shalt  }
0x62: {  	_ =	shalt  }
0x63: {  	_ =	shalt  }
0x64: {  	_ =	shalt  }
0x65: {  	_ =	shalt  }
0x66: {  	_ =	shalt  }
0x67: {  	_ =	shalt  }
0x68: {  	_ =	shalt  }
0x69: {  	_ =	shalt  }
0x6a: {  	_ =	shalt  }
0x6b: {  	_ =	shalt  }
0x6c: {  	_ =	shalt  }
0x6d: {  	_ =	shalt  }
0x6e: {  	_ =	shalt  }
0x6f: {  	_ =	shalt  }
0x70: {  	_ =	shalt  }
0x71: {  	_ =	shalt  }
0x72: {  	_ =	shalt  }
0x73: {  	_ =	shalt  }
0x74: {  	_ =	shalt  }
0x75: {  	_ =	shalt  }
0x76: {  	_ =	shalt  }
0x77: {  	_ =	shalt  }
0x78: {  	_ =	shalt  }
0x79: {  	_ =	shalt  }
0x7a: {  	_ =	shalt  }
0x7b: {  	_ =	shalt  }
0x7c: {  	_ =	shalt  }
0x7d: {  	_ =	shalt  }
0x7e: {  	_ =	shalt  }
0x7f: {  	_ =	shalt  }
0x80: {  	_ =	shalt  }
0x81: {  	_ =	shalt  }
0x82: {  	_ =	shalt  }
0x83: {  	_ =	shalt  }
0x84: {  	_ =	shalt  }
0x85: {  	_ =	shalt  }
0x86: {  	_ =	shalt  }
0x87: {  	_ =	shalt  }
.Lfunc_end0:
.L_simem_size_0:
called_computation_lowered:
.L_overlay_start_0:
0x88: {  	s2 =	sld [smem:$0x3FD9]  }
0x89: {  	s3 =	sld [smem:$0x3FFE];
	_ =	sdelay $0x1  }
0x8a: {  	s1 =	srdreg.scid  }
0x8b: {  	s0 =	sand.u32 $0x1, s1  }
0x8c: {  	s16 =	sshll.u32 s0, $0xA;
	s2 =	sadd.s32 s3, s2  }
0x8d: {  	s2 =	sadd.s32 s2, s16  }
0x8e: {  	[smem:$0x3FBC] =	sst s2  }
0x8f: {  	_ = 	snop  }
0x90: {  	(tm) =	ssettm $0x1  }
0x91: {  	s17 =	sld [smem:$0x3FFB];
	_ =	sdelay $0x3  }
0x92: {  	_ =	strace s17  }
0x93: {  	s2 =	sld [smem:$0x3FFC];
	_ =	sdelay $0x3  }
0x94: {  	_ =	strace s2  }
0x95: {  	s2 =	sld [smem:$0x3FFD];
	_ =	sdelay $0x3  }
0x96: {  	_ =	strace s2  }
0x97: {  	_ =	strace $0x8FFFFFFF  }
0x98: {  	s18 =	sld [smem:$0x3FDB];
	_ =	sdelay $0x1  }
0x99: {  	s19 =	simm.s32 $_scs_section_size  }
0x9a: {  	s4 =	simm.s32 $_size__tile_overlayer_lowered;
	s5 =	simm.s32 $_tile_overlayer_lowered  }
0x9b: {  	s22 =	simm.s32 $0x1BFF;
	s21 =	sshll.u32 s5, $0x1;
	s2 =	sadd.s32 s19, s18  }
0x9c: {  	s6 =	simm.s32 $0x0;
	s20 =	sshll.u32 s4, $0x1;
	s4 =	sadd.s32 s21, s2  }
0x9d: {  	[timem:s6], [sflag:s22] =	dma.local [hbm:s4], s20  }
0x9e: {  	_ =	swait.ge [sflag:s22], s20  }
0x9f: {  	s3 =	ssub.s32 $0x0, s20;
	[sflag:s22] =	ssyncset.done $0x0  }
0xa0: {  	[sflag:s22] =	ssyncadd.s32 s3;
	_ =	sdelay $0x1  }
0xa1: {  	s23 =	simm.s32 $0x1B8B  }
0xa2: {  	_ =	swait.ge [sflag:s23], $0x1  }
0xa3: {  	[sflag:s23] =	ssyncset.done $0x0  }
0xa4: {  	s25 =	simm.s32 $0x1B8E;
	s24 =	sld [smem:$0x3FFE];
	[sflag:s23] =	ssyncadd.s32 $0xFFFFFFFF  }
0xa5: {  	s26 =	simm.s32 $execute0_lowered;
	[smem:$0x3FD2] =	sst s25  }
0xa6: {  	s4 =	sshll.u32 s26, $0x1;
	_ =	strace $0x80000046;
	[dreg:$0x1] =	wrdreg $0xFFFFFFFF  }
0xa7: {  	s28 =	simm.s32 $_size_execute0_lowered;
	s2 =	sadd.s32 s2, s4;
	[dreg:$0x0] =	wrdreg $0x0  }
0xa8: {  	s4 =	sshll.u32 s28, $0x1;
	[dreg:$0x2] =	wrdreg s2  }
0xa9: {  	[dreg:$0x3] =	wrdreg s4  }
0xaa: {  	[dreg:$0x4] =	wrdreg $0xC0  }
0xab: {  	_ =	task [dreg:s6], $0x5FFFF  }
0xac: {  	[dreg:$0x1] =	wrdreg $0xFFFFFFFF  }
0xad: {  	[dreg:$0x0] =	wrdreg $0x60  }
0xae: {  	[dreg:$0x2] =	wrdreg s24  }
0xaf: {  	[dreg:$0x3] =	wrdreg $0x68000  }
0xb0: {  	[dreg:$0x4] =	wrdreg $0x9  }
0xb1: {  	_ =	task.clear_ibuf [dreg:s6], $0x5FFFF;
	_ =	strace $0x90000046  }
0xb2: {  	s29 =	simm.s32 $0x9;
	_ =	strace $0x80000048  }
0xb3: {  	_ =	swait.ge [sflag:s29], $0x1  }
0xb4: {  	[sflag:s29] =	ssyncadd.s32 $0xFFFFFFFF  }
0xb5: {  	_ =	strace $0x90000048  }
0xb6: {  	_ =	sfence  }
0xb7: {  	s30 =	sld [smem:$0x0];
	_ =	sdelay $0x2  }
0xb8: {  	s31 =	sshll.u32 s1, $0xD;
	s1 =	sshrl.u32 s1, $0x2  }
0xb9: {  	s3 =	sand.u32 $0x4000, s31;
	s1 =	sadd.s32 s1, s30  }
0xba: {  	s0 =	sor.u32 s3, s0;
	s1 =	sshll.u32 s1, $0x11  }
0xbb: {  	s0 =	sor.u32 s1, s0  }
0xbc: {  	s0 =	sadd.s32 $0x8F2B, s0  }
0xbd: {  	[sflag:s0] =	ssyncadd.remote.s32 $0x1  }
0xbe: {  	_ =	sfence.sel $0xFFFF  }
0xbf: {  	[dreg:$0x0] =	wrdreg $0xFFFFFFFF;
	(pc) =	sbr.abs _section_cstart, $3  }
0xc0: {  	[dreg:$0x1] =	wrdreg $0xFFFFFFFF  }
0xc1: {  	_ =	task.clear_ibuf [dreg:s6], $0x2FFFF;
	_ =	strace $0x9FFFFFFF  }
0xc2: {  	(tm) =	ssettm $0x7FFFFFFF  }
0xc3: {  	_ =	shalt  }
tec
execute0_lowered:
.L_overlay_start_1:
0x0: {  	(tag) =	ssettag $0x1  }
0x1: {  	s0 =	srdreg.scid  }
0x2: {  	s6 =	rddreg [dreg:$0x0];
	s5 =	sand.u32 $0x1, s0;
	s0 =	stileid.u32  }
0x3: {  	s2 =	rddreg [dreg:$0x1];
	s3 =	simm.s32 $0x0;
	s14 =	smul.u32 $0x2800, s0  }
0x4: {  	s13 =	simm.s32 $0x1;
	[smem:$0x7FF] =	sst s3;
	s7 =	smul.u32 $0x28000, s5  }
0x5: {  	s1 =	sshll.u32 s5, $0x4;
	s9 =	smul.u32 $0x50000, s0;
	s5 =	ssub.s32 $0x2, s5  }
0x6: {  	s31 =	sshll.u32 s0, $0x6;
	s1 =	sor.u32 s0, s1;
	s30 =	sshrl.u32 s5, $0x1  }
0x7: {  	s4 =	smul.u32 $0x500, s1;
	s1 =	rddreg [dreg:$0x2];
	_ =	strace $0x80000047  }
0x8: {  	s10 =	sadd.s32 s14, s6;
	s7 =	sadd.s32 s7, s6;
	s9 =	sshrl.u32 s9, $0x2  }
0x9: {  	s11 =	ssub.s32 s5, s30;
	s12 =	sadd.s32 s9, s2;
	s15 =	sadd.s32 $0x35000, s7  }
0xa: {  	s7 =	smax.u32 s11, $0x1;
	s9 =	simm.s32 $0x2800;
	s8 =	sadd.s32 s4, s6  }
0xb: {  	s4 =	sadd.s32 $0x34800, s6;
	s6 =	sadd.s32 $0xC800, s10;
	s10 =	sor.u32 $0x1C02, s31  }
0xc: {  	s11 =	sshrl.u32 s12, $0x3;
	s12 =	simm.s32 $0x7D;
	s14 =	sadd.s32 s14, s15  }
0xd: {  	s15 =	simm.s32 $0x0;
	s5 =	sadd.s32 $0x2800, s8;
	s8 =	simm.s32 $0x2  }
.LBB2_1:
0xe: {  	[tilespmem:s3], [sflag:$0x2] =	stream.linear.gather [hbm4b:s5+s3], $0x2800, $0x38;
	[tilespmem:$0x1A800] =	vst v63  }
0xf: {  	_ =	swait.ge [sflag:s8], $0x2800  }
0x10: {  	[sflag:s8] =	ssyncset.done $0x0  }
0x11: {  	[sflag:s8] =	ssyncadd.s32 $0xFFFFD800  }
0x12: {  	[tilespmem:s9], [sflag:$0x2] =	stream.linear.gather [hbm4b:s4+s3], $0x3E80, $0x38;
	[tilespmem:$0x1A800] =	vst v63  }
0x13: {  	_ =	swait.ge [sflag:s8], $0x3E80  }
0x14: {  	[sflag:s8] =	ssyncset.done $0x0  }
0x15: {  	[sflag:s8] =	ssyncadd.s32 $0xFFFFC180  }
0x16: {  	[spmem:s11], [sflag:s10] =	dma.local [hbm:s6], $0x2800  }
0x17: {  	_ =	swait.ge [sflag:s8], $0x2800  }
0x18: {  	[sflag:s8] =	ssyncset.done $0x0  }
0x19: {  	[sflag:s8] =	ssyncadd.s32 $0xFFFFD800  }
0x1a: {  	s16 =	simm.s32 $0x0;
	[bflag:$0x0] =	sbarrier.arrive $0xFFFF  }
0x1b: {  	[spmem:s2] =	stream.indirect.scatter.add.f32 [tilespmem:s9], [sflag:$0x1], $0x80, s16, s12, $0xb8;
	[tilespmem:$0x1A800] =	vst v63  }
0x1c: {  	s31 =	simm.s32 $0x80  }
0x1d: {  	[spmem:s2] =	stream.indirect.scatter.add.f32 [tilespmem:s9], [sflag:$0x1], $0x80, s31, s12, $0xb8;
	[tilespmem:$0x1A800] =	vst v63  }
0x1e: {  	s17 =	simm.s32 $0x100  }
0x1f: {  	[spmem:s2] =	stream.indirect.scatter.add.f32 [tilespmem:s9], [sflag:$0x1], $0x80, s17, s12, $0xb8;
	[tilespmem:$0x1A800] =	vst v63  }
0x20: {  	s18 =	simm.s32 $0x180  }
0x21: {  	[spmem:s2] =	stream.indirect.scatter.add.f32 [tilespmem:s9], [sflag:$0x1], $0x80, s18, s12, $0xb8;
	[tilespmem:$0x1A800] =	vst v63  }
0x22: {  	s19 =	simm.s32 $0x200  }
0x23: {  	[spmem:s2] =	stream.indirect.scatter.add.f32 [tilespmem:s9], [sflag:$0x1], $0x80, s19, s12, $0xb8;
	[tilespmem:$0x1A800] =	vst v63  }
0x24: {  	s20 =	simm.s32 $0x280  }
0x25: {  	[spmem:s2] =	stream.indirect.scatter.add.f32 [tilespmem:s9], [sflag:$0x1], $0x80, s20, s12, $0xb8;
	[tilespmem:$0x1A800] =	vst v63  }
0x26: {  	s21 =	simm.s32 $0x300  }
0x27: {  	[spmem:s2] =	stream.indirect.scatter.add.f32 [tilespmem:s9], [sflag:$0x1], $0x80, s21, s12, $0xb8;
	[tilespmem:$0x1A800] =	vst v63  }
0x28: {  	s22 =	simm.s32 $0x380  }
0x29: {  	[spmem:s2] =	stream.indirect.scatter.add.f32 [tilespmem:s9], [sflag:$0x1], $0x80, s22, s12, $0xb8;
	[tilespmem:$0x1A800] =	vst v63  }
0x2a: {  	s23 =	simm.s32 $0x400  }
0x2b: {  	[spmem:s2] =	stream.indirect.scatter.add.f32 [tilespmem:s9], [sflag:$0x1], $0x80, s23, s12, $0xb8;
	[tilespmem:$0x1A800] =	vst v63  }
0x2c: {  	s24 =	simm.s32 $0x480  }
0x2d: {  	[spmem:s2] =	stream.indirect.scatter.add.f32 [tilespmem:s9], [sflag:$0x1], $0x80, s24, s12, $0xb8;
	[tilespmem:$0x1A800] =	vst v63  }
0x2e: {  	s25 =	simm.s32 $0x500  }
0x2f: {  	[spmem:s2] =	stream.indirect.scatter.add.f32 [tilespmem:s9], [sflag:$0x1], $0x80, s25, s12, $0xb8;
	[tilespmem:$0x1A800] =	vst v63  }
0x30: {  	s26 =	simm.s32 $0x580  }
0x31: {  	[spmem:s2] =	stream.indirect.scatter.add.f32 [tilespmem:s9], [sflag:$0x1], $0x80, s26, s12, $0xb8;
	[tilespmem:$0x1A800] =	vst v63  }
0x32: {  	s28 =	simm.s32 $0x600  }
0x33: {  	[spmem:s2] =	stream.indirect.scatter.add.f32 [tilespmem:s9], [sflag:$0x1], $0x80, s28, s12, $0xb8;
	[tilespmem:$0x1A800] =	vst v63  }
0x34: {  	s29 =	simm.s32 $0x680  }
0x35: {  	[spmem:s2] =	stream.indirect.scatter.add.f32 [tilespmem:s9], [sflag:$0x1], $0x80, s29, s12, $0xb8;
	[tilespmem:$0x1A800] =	vst v63  }
0x36: {  	s30 =	simm.s32 $0x700  }
0x37: {  	[spmem:s2] =	stream.indirect.scatter.add.f32 [tilespmem:s9], [sflag:$0x1], $0x80, s30, s12, $0xb8;
	[tilespmem:$0x1A800] =	vst v63  }
0x38: {  	s31 =	simm.s32 $0x780  }
0x39: {  	[spmem:s2] =	stream.indirect.scatter.add.f32 [tilespmem:s9], [sflag:$0x1], $0x80, s31, s12, $0xb8;
	[tilespmem:$0x1A800] =	vst v63  }
0x3a: {  	_ =	swait.ge [sflag:s13], $0x3E80  }
0x3b: {  	[sflag:s13] =	ssyncset.done $0x0  }
0x3c: {  	[sflag:s13] =	ssyncadd.s32 $0xFFFFC180  }
0x3d: {  	_ =	swait.ge [sflag:s13], $0x3E80  }
0x3e: {  	[sflag:s13] =	ssyncset.done $0x0  }
0x3f: {  	[sflag:s13] =	ssyncadd.s32 $0xFFFFC180  }
0x40: {  	_ =	swait.ge [sflag:s13], $0x3E80  }
0x41: {  	[sflag:s13] =	ssyncset.done $0x0  }
0x42: {  	[sflag:s13] =	ssyncadd.s32 $0xFFFFC180  }
0x43: {  	_ =	swait.ge [sflag:s13], $0x3E80  }
0x44: {  	[sflag:s13] =	ssyncset.done $0x0  }
0x45: {  	[sflag:s13] =	ssyncadd.s32 $0xFFFFC180  }
0x46: {  	_ =	swait.ge [sflag:s13], $0x3E80  }
0x47: {  	[sflag:s13] =	ssyncset.done $0x0  }
0x48: {  	[sflag:s13] =	ssyncadd.s32 $0xFFFFC180  }
0x49: {  	_ =	swait.ge [sflag:s13], $0x3E80  }
0x4a: {  	[sflag:s13] =	ssyncset.done $0x0  }
0x4b: {  	[sflag:s13] =	ssyncadd.s32 $0xFFFFC180  }
0x4c: {  	_ =	swait.ge [sflag:s13], $0x3E80  }
0x4d: {  	[sflag:s13] =	ssyncset.done $0x0  }
0x4e: {  	[sflag:s13] =	ssyncadd.s32 $0xFFFFC180  }
0x4f: {  	_ =	swait.ge [sflag:s13], $0x3E80  }
0x50: {  	[sflag:s13] =	ssyncset.done $0x0  }
0x51: {  	[sflag:s13] =	ssyncadd.s32 $0xFFFFC180  }
0x52: {  	_ =	swait.ge [sflag:s13], $0x3E80  }
0x53: {  	[sflag:s13] =	ssyncset.done $0x0  }
0x54: {  	[sflag:s13] =	ssyncadd.s32 $0xFFFFC180  }
0x55: {  	_ =	swait.ge [sflag:s13], $0x3E80  }
0x56: {  	[sflag:s13] =	ssyncset.done $0x0  }
0x57: {  	[sflag:s13] =	ssyncadd.s32 $0xFFFFC180  }
0x58: {  	_ =	swait.ge [sflag:s13], $0x3E80  }
0x59: {  	[sflag:s13] =	ssyncset.done $0x0  }
0x5a: {  	[sflag:s13] =	ssyncadd.s32 $0xFFFFC180  }
0x5b: {  	_ =	swait.ge [sflag:s13], $0x3E80  }
0x5c: {  	[sflag:s13] =	ssyncset.done $0x0  }
0x5d: {  	[sflag:s13] =	ssyncadd.s32 $0xFFFFC180  }
0x5e: {  	_ =	swait.ge [sflag:s13], $0x3E80  }
0x5f: {  	[sflag:s13] =	ssyncset.done $0x0  }
0x60: {  	[sflag:s13] =	ssyncadd.s32 $0xFFFFC180  }
0x61: {  	_ =	swait.ge [sflag:s13], $0x3E80  }
0x62: {  	[sflag:s13] =	ssyncset.done $0x0  }
0x63: {  	[sflag:s13] =	ssyncadd.s32 $0xFFFFC180  }
0x64: {  	_ =	swait.ge [sflag:s13], $0x3E80  }
0x65: {  	[sflag:s13] =	ssyncset.done $0x0  }
0x66: {  	[sflag:s13] =	ssyncadd.s32 $0xFFFFC180  }
0x67: {  	_ =	swait.ge [sflag:s13], $0x3E80  }
0x68: {  	s16 =	simm.s32 $0x2000;
	s19 =	simm.s32 $0x4000;
	[sflag:s13] =	ssyncset.done $0x0  }
.LBB2_2:
0x69: {  	s18 =	sshra.s32 s16, $0x2  }
0x6a: {  	[sflag:s13] =	ssyncadd.s32 $0xFFFFC180;
	s16 =	smov.u32 s19;
	s17 =	sadd.s32 $0x2000, s19  }
0x6b: {  	[spmem:s2] =	stream.indirect.scatter.add.f32 [tilespmem:s9], [sflag:$0x1], $0x80, s18, s12, $0xb8;
	[tilespmem:$0x1A800] =	vst v63  }
0x6c: {  	p0 =	sne.s32 s19, $0x8000;
	s19 =	sadd.s32 $0x80, s18  }
0x6d: {  	[spmem:s2] =	stream.indirect.scatter.add.f32 [tilespmem:s9], [sflag:$0x1], $0x80, s19, s12, $0xb8;
	[tilespmem:$0x1A800] =	vst v63  }
0x6e: {  	s19 =	sadd.s32 $0x100, s18  }
0x6f: {  	[spmem:s2] =	stream.indirect.scatter.add.f32 [tilespmem:s9], [sflag:$0x1], $0x80, s19, s12, $0xb8;
	[tilespmem:$0x1A800] =	vst v63  }
0x70: {  	s19 =	sadd.s32 $0x180, s18  }
0x71: {  	[spmem:s2] =	stream.indirect.scatter.add.f32 [tilespmem:s9], [sflag:$0x1], $0x80, s19, s12, $0xb8;
	[tilespmem:$0x1A800] =	vst v63  }
0x72: {  	s19 =	sadd.s32 $0x200, s18  }
0x73: {  	[spmem:s2] =	stream.indirect.scatter.add.f32 [tilespmem:s9], [sflag:$0x1], $0x80, s19, s12, $0xb8;
	[tilespmem:$0x1A800] =	vst v63  }
0x74: {  	s19 =	sadd.s32 $0x280, s18  }
0x75: {  	[spmem:s2] =	stream.indirect.scatter.add.f32 [tilespmem:s9], [sflag:$0x1], $0x80, s19, s12, $0xb8;
	[tilespmem:$0x1A800] =	vst v63  }
0x76: {  	s19 =	sadd.s32 $0x300, s18  }
0x77: {  	[spmem:s2] =	stream.indirect.scatter.add.f32 [tilespmem:s9], [sflag:$0x1], $0x80, s19, s12, $0xb8;
	[tilespmem:$0x1A800] =	vst v63  }
0x78: {  	s19 =	sadd.s32 $0x380, s18  }
0x79: {  	[spmem:s2] =	stream.indirect.scatter.add.f32 [tilespmem:s9], [sflag:$0x1], $0x80, s19, s12, $0xb8;
	[tilespmem:$0x1A800] =	vst v63  }
0x7a: {  	s19 =	sadd.s32 $0x400, s18  }
0x7b: {  	[spmem:s2] =	stream.indirect.scatter.add.f32 [tilespmem:s9], [sflag:$0x1], $0x80, s19, s12, $0xb8;
	[tilespmem:$0x1A800] =	vst v63  }
0x7c: {  	s19 =	sadd.s32 $0x480, s18  }
0x7d: {  	[spmem:s2] =	stream.indirect.scatter.add.f32 [tilespmem:s9], [sflag:$0x1], $0x80, s19, s12, $0xb8;
	[tilespmem:$0x1A800] =	vst v63  }
0x7e: {  	s19 =	sadd.s32 $0x500, s18  }
0x7f: {  	[spmem:s2] =	stream.indirect.scatter.add.f32 [tilespmem:s9], [sflag:$0x1], $0x80, s19, s12, $0xb8;
	[tilespmem:$0x1A800] =	vst v63  }
0x80: {  	s19 =	sadd.s32 $0x580, s18  }
0x81: {  	[spmem:s2] =	stream.indirect.scatter.add.f32 [tilespmem:s9], [sflag:$0x1], $0x80, s19, s12, $0xb8;
	[tilespmem:$0x1A800] =	vst v63  }
0x82: {  	s19 =	sadd.s32 $0x600, s18  }
0x83: {  	[spmem:s2] =	stream.indirect.scatter.add.f32 [tilespmem:s9], [sflag:$0x1], $0x80, s19, s12, $0xb8;
	[tilespmem:$0x1A800] =	vst v63  }
0x84: {  	s19 =	sadd.s32 $0x680, s18  }
0x85: {  	[spmem:s2] =	stream.indirect.scatter.add.f32 [tilespmem:s9], [sflag:$0x1], $0x80, s19, s12, $0xb8;
	[tilespmem:$0x1A800] =	vst v63  }
0x86: {  	s19 =	sadd.s32 $0x700, s18  }
0x87: {  	[spmem:s2] =	stream.indirect.scatter.add.f32 [tilespmem:s9], [sflag:$0x1], $0x80, s19, s12, $0xb8;
	[tilespmem:$0x1A800] =	vst v63  }
0x88: {  	s18 =	sadd.s32 $0x780, s18  }
0x89: {  	[spmem:s2] =	stream.indirect.scatter.add.f32 [tilespmem:s9], [sflag:$0x1], $0x80, s18, s12, $0xb8;
	[tilespmem:$0x1A800] =	vst v63  }
0x8a: {  	_ =	swait.ge [sflag:s13], $0x3E80  }
0x8b: {  	[sflag:s13] =	ssyncset.done $0x0  }
0x8c: {  	[sflag:s13] =	ssyncadd.s32 $0xFFFFC180  }
0x8d: {  	_ =	swait.ge [sflag:s13], $0x3E80  }
0x8e: {  	[sflag:s13] =	ssyncset.done $0x0  }
0x8f: {  	[sflag:s13] =	ssyncadd.s32 $0xFFFFC180  }
0x90: {  	_ =	swait.ge [sflag:s13], $0x3E80  }
0x91: {  	[sflag:s13] =	ssyncset.done $0x0  }
0x92: {  	[sflag:s13] =	ssyncadd.s32 $0xFFFFC180  }
0x93: {  	_ =	swait.ge [sflag:s13], $0x3E80  }
0x94: {  	[sflag:s13] =	ssyncset.done $0x0  }
0x95: {  	[sflag:s13] =	ssyncadd.s32 $0xFFFFC180  }
0x96: {  	_ =	swait.ge [sflag:s13], $0x3E80  }
0x97: {  	[sflag:s13] =	ssyncset.done $0x0  }
0x98: {  	[sflag:s13] =	ssyncadd.s32 $0xFFFFC180  }
0x99: {  	_ =	swait.ge [sflag:s13], $0x3E80  }
0x9a: {  	[sflag:s13] =	ssyncset.done $0x0  }
0x9b: {  	[sflag:s13] =	ssyncadd.s32 $0xFFFFC180  }
0x9c: {  	_ =	swait.ge [sflag:s13], $0x3E80  }
0x9d: {  	[sflag:s13] =	ssyncset.done $0x0  }
0x9e: {  	[sflag:s13] =	ssyncadd.s32 $0xFFFFC180  }
0x9f: {  	_ =	swait.ge [sflag:s13], $0x3E80  }
0xa0: {  	[sflag:s13] =	ssyncset.done $0x0  }
0xa1: {  	[sflag:s13] =	ssyncadd.s32 $0xFFFFC180  }
0xa2: {  	_ =	swait.ge [sflag:s13], $0x3E80  }
0xa3: {  	[sflag:s13] =	ssyncset.done $0x0  }
0xa4: {  	[sflag:s13] =	ssyncadd.s32 $0xFFFFC180  }
0xa5: {  	_ =	swait.ge [sflag:s13], $0x3E80  }
0xa6: {  	[sflag:s13] =	ssyncset.done $0x0  }
0xa7: {  	[sflag:s13] =	ssyncadd.s32 $0xFFFFC180  }
0xa8: {  	_ =	swait.ge [sflag:s13], $0x3E80  }
0xa9: {  	[sflag:s13] =	ssyncset.done $0x0  }
0xaa: {  	[sflag:s13] =	ssyncadd.s32 $0xFFFFC180  }
0xab: {  	_ =	swait.ge [sflag:s13], $0x3E80  }
0xac: {  	[sflag:s13] =	ssyncset.done $0x0  }
0xad: {  	[sflag:s13] =	ssyncadd.s32 $0xFFFFC180  }
0xae: {  	_ =	swait.ge [sflag:s13], $0x3E80  }
0xaf: {  	[sflag:s13] =	ssyncset.done $0x0  }
0xb0: {  	[sflag:s13] =	ssyncadd.s32 $0xFFFFC180  }
0xb1: {  	_ =	swait.ge [sflag:s13], $0x3E80  }
0xb2: {  	[sflag:s13] =	ssyncset.done $0x0  }
0xb3: {  	[sflag:s13] =	ssyncadd.s32 $0xFFFFC180  }
.Ltmp0:
0xb4: {  	_ =	swait.ge [sflag:s13], $0x3E80;
	(pc) =	sbr.rel @p0 .LBB2_2-.Ltmp0, $4  }
0xb5: {  	[sflag:s13] =	ssyncset.done $0x0  }
0xb6: {  	[sflag:s13] =	ssyncadd.s32 $0xFFFFC180  }
0xb7: {  	_ =	swait.ge [sflag:s13], $0x3E80  }
0xb8: {  	s19 =	smov.u32 s17;
	[sflag:s13] =	ssyncset.done $0x0  }
0xb9: {  	s16 =	sshra.s32 s16, $0x2;
	[sflag:s13] =	ssyncadd.s32 $0xFFFFC180  }
0xba: {  	[spmem:s2] =	stream.indirect.scatter.add.f32 [tilespmem:s9], [sflag:$0x1], $0x80, s16, s12, $0xb8;
	[tilespmem:$0x1A800] =	vst v63  }
0xbb: {  	s17 =	sadd.s32 $0x80, s16  }
0xbc: {  	[spmem:s2] =	stream.indirect.scatter.add.f32 [tilespmem:s9], [sflag:$0x1], $0x80, s17, s12, $0xb8;
	[tilespmem:$0x1A800] =	vst v63  }
0xbd: {  	s18 =	sadd.s32 $0x100, s16  }
0xbe: {  	[spmem:s2] =	stream.indirect.scatter.add.f32 [tilespmem:s9], [sflag:$0x1], $0x80, s18, s12, $0xb8;
	[tilespmem:$0x1A800] =	vst v63  }
0xbf: {  	s19 =	sadd.s32 $0x180, s16  }
0xc0: {  	[spmem:s2] =	stream.indirect.scatter.add.f32 [tilespmem:s9], [sflag:$0x1], $0x80, s19, s12, $0xb8;
	[tilespmem:$0x1A800] =	vst v63  }
0xc1: {  	s20 =	sadd.s32 $0x200, s16  }
0xc2: {  	[spmem:s2] =	stream.indirect.scatter.add.f32 [tilespmem:s9], [sflag:$0x1], $0x80, s20, s12, $0xb8;
	[tilespmem:$0x1A800] =	vst v63  }
0xc3: {  	s21 =	sadd.s32 $0x280, s16  }
0xc4: {  	[spmem:s2] =	stream.indirect.scatter.add.f32 [tilespmem:s9], [sflag:$0x1], $0x80, s21, s12, $0xb8;
	[tilespmem:$0x1A800] =	vst v63  }
0xc5: {  	s22 =	sadd.s32 $0x300, s16  }
0xc6: {  	[spmem:s2] =	stream.indirect.scatter.add.f32 [tilespmem:s9], [sflag:$0x1], $0x80, s22, s12, $0xb8;
	[tilespmem:$0x1A800] =	vst v63  }
0xc7: {  	s23 =	sadd.s32 $0x380, s16  }
0xc8: {  	[spmem:s2] =	stream.indirect.scatter.add.f32 [tilespmem:s9], [sflag:$0x1], $0x80, s23, s12, $0xb8;
	[tilespmem:$0x1A800] =	vst v63  }
0xc9: {  	s24 =	sadd.s32 $0x400, s16  }
0xca: {  	[spmem:s2] =	stream.indirect.scatter.add.f32 [tilespmem:s9], [sflag:$0x1], $0x80, s24, s12, $0xb8;
	[tilespmem:$0x1A800] =	vst v63  }
0xcb: {  	s25 =	sadd.s32 $0x480, s16  }
0xcc: {  	[spmem:s2] =	stream.indirect.scatter.add.f32 [tilespmem:s9], [sflag:$0x1], $0x80, s25, s12, $0xb8;
	[tilespmem:$0x1A800] =	vst v63  }
0xcd: {  	s26 =	sadd.s32 $0x500, s16  }
0xce: {  	[spmem:s2] =	stream.indirect.scatter.add.f32 [tilespmem:s9], [sflag:$0x1], $0x80, s26, s12, $0xb8;
	[tilespmem:$0x1A800] =	vst v63  }
0xcf: {  	s28 =	sadd.s32 $0x580, s16  }
0xd0: {  	[spmem:s2] =	stream.indirect.scatter.add.f32 [tilespmem:s9], [sflag:$0x1], $0x80, s28, s12, $0xb8;
	[tilespmem:$0x1A800] =	vst v63  }
0xd1: {  	s29 =	sadd.s32 $0x600, s16  }
0xd2: {  	[spmem:s2] =	stream.indirect.scatter.add.f32 [tilespmem:s9], [sflag:$0x1], $0x80, s29, s12, $0xb8;
	[tilespmem:$0x1A800] =	vst v63  }
0xd3: {  	s30 =	sadd.s32 $0x680, s16  }
0xd4: {  	[spmem:s2] =	stream.indirect.scatter.add.f32 [tilespmem:s9], [sflag:$0x1], $0x80, s30, s12, $0xb8;
	[tilespmem:$0x1A800] =	vst v63  }
0xd5: {  	s31 =	sadd.s32 $0x700, s16  }
0xd6: {  	[spmem:s2] =	stream.indirect.scatter.add.f32 [tilespmem:s9], [sflag:$0x1], $0x80, s31, s12, $0xb8;
	[tilespmem:$0x1A800] =	vst v63  }
0xd7: {  	s16 =	sadd.s32 $0x780, s16  }
0xd8: {  	[spmem:s2] =	stream.indirect.scatter.add.f32 [tilespmem:s9], [sflag:$0x1], $0x80, s16, s12, $0xb8;
	[tilespmem:$0x1A800] =	vst v63  }
0xd9: {  	_ =	swait.ge [sflag:s13], $0x3E80  }
0xda: {  	[sflag:s13] =	ssyncset.done $0x0  }
0xdb: {  	[sflag:s13] =	ssyncadd.s32 $0xFFFFC180  }
0xdc: {  	_ =	swait.ge [sflag:s13], $0x3E80  }
0xdd: {  	[sflag:s13] =	ssyncset.done $0x0  }
0xde: {  	[sflag:s13] =	ssyncadd.s32 $0xFFFFC180  }
0xdf: {  	_ =	swait.ge [sflag:s13], $0x3E80  }
0xe0: {  	[sflag:s13] =	ssyncset.done $0x0  }
0xe1: {  	[sflag:s13] =	ssyncadd.s32 $0xFFFFC180  }
0xe2: {  	_ =	swait.ge [sflag:s13], $0x3E80  }
0xe3: {  	[sflag:s13] =	ssyncset.done $0x0  }
0xe4: {  	[sflag:s13] =	ssyncadd.s32 $0xFFFFC180  }
0xe5: {  	_ =	swait.ge [sflag:s13], $0x3E80  }
0xe6: {  	[sflag:s13] =	ssyncset.done $0x0  }
0xe7: {  	[sflag:s13] =	ssyncadd.s32 $0xFFFFC180  }
0xe8: {  	_ =	swait.ge [sflag:s13], $0x3E80  }
0xe9: {  	[sflag:s13] =	ssyncset.done $0x0  }
0xea: {  	[sflag:s13] =	ssyncadd.s32 $0xFFFFC180  }
0xeb: {  	_ =	swait.ge [sflag:s13], $0x3E80  }
0xec: {  	[sflag:s13] =	ssyncset.done $0x0  }
0xed: {  	[sflag:s13] =	ssyncadd.s32 $0xFFFFC180  }
0xee: {  	_ =	swait.ge [sflag:s13], $0x3E80  }
0xef: {  	[sflag:s13] =	ssyncset.done $0x0  }
0xf0: {  	[sflag:s13] =	ssyncadd.s32 $0xFFFFC180  }
0xf1: {  	_ =	swait.ge [sflag:s13], $0x3E80  }
0xf2: {  	[sflag:s13] =	ssyncset.done $0x0  }
0xf3: {  	[sflag:s13] =	ssyncadd.s32 $0xFFFFC180  }
0xf4: {  	_ =	swait.ge [sflag:s13], $0x3E80  }
0xf5: {  	[sflag:s13] =	ssyncset.done $0x0  }
0xf6: {  	[sflag:s13] =	ssyncadd.s32 $0xFFFFC180  }
0xf7: {  	_ =	swait.ge [sflag:s13], $0x3E80  }
0xf8: {  	[sflag:s13] =	ssyncset.done $0x0  }
0xf9: {  	[sflag:s13] =	ssyncadd.s32 $0xFFFFC180  }
0xfa: {  	_ =	swait.ge [sflag:s13], $0x3E80  }
0xfb: {  	[sflag:s13] =	ssyncset.done $0x0  }
0xfc: {  	[sflag:s13] =	ssyncadd.s32 $0xFFFFC180  }
0xfd: {  	_ =	swait.ge [sflag:s13], $0x3E80  }
0xfe: {  	[sflag:s13] =	ssyncset.done $0x0  }
0xff: {  	[sflag:s13] =	ssyncadd.s32 $0xFFFFC180  }
0x100: {  	_ =	swait.ge [sflag:s13], $0x3E80  }
0x101: {  	[sflag:s13] =	ssyncset.done $0x0  }
0x102: {  	[sflag:s13] =	ssyncadd.s32 $0xFFFFC180  }
0x103: {  	_ =	swait.ge [sflag:s13], $0x3E80  }
0x104: {  	[sflag:s13] =	ssyncset.done $0x0  }
0x105: {  	[sflag:s13] =	ssyncadd.s32 $0xFFFFC180  }
0x106: {  	_ =	swait.ge [sflag:s13], $0x3E80  }
0x107: {  	s15 =	sadd.s32 $0x1, s15;
	[sflag:s13] =	ssyncset.done $0x0  }
0x108: {  	p0 =	sne.s32 s15, s7;
	[sflag:s13] =	ssyncadd.s32 $0xFFFFC180  }
.Ltmp1:
0x109: {  	[bflag:$0x0] =	sbarrier.arrive $0xFFFF;
	(pc) =	sbr.rel @p0 .LBB2_1-.Ltmp1, $4  }
0x10a: {  	[hbm:s14], [sflag:s10] =	dma.local [spmem:s11], $0x2800  }
0x10b: {  	_ =	swait.ge [sflag:s8], $0x2800  }
0x10c: {  	[sflag:s8] =	ssyncset.done $0x0  }
0x10d: {  	[sflag:s8] =	ssyncadd.s32 $0xFFFFD800  }
0x10e: {  	_ =	sfence.sel $0x180000  }
0x10f: {  	[bflag:$0x0] =	sbarrier.arrive $0xFFFF  }
0x110: {  	p0 =	sne.s32 s0, $0x0;
	_ =	strace $0x90000047  }
0x111: {  	s0 =	sadd.s32 @!p0 $0x100000, s1;
	[bflag:$0x2] =	sbarrier.arrive $0xFFFF  }
0x112: {  	[sflag:s0] =	ssyncadd.tile.s32 @!p0 $0x1;
	_ =	shalt  }
.Lfunc_end2:
_tile_overlayer_lowered:
.L_overlay_start_2:
0x113: {  	(tag) =	ssettag $0x2  }
0x114: {  	s0 =	rddreg [dreg:$0x0];
	s2 =	stileid.u32  }
0x115: {  	s1 =	rddreg [dreg:$0x1];
	p0 =	sne.s32 s2, $0x0  }
0x116: {  	s3 =	rddreg [dreg:$0x2];
	[bflag:$0x3] =	sbarrier.arrive $0xFFFF;
	s2 =	simm.s32 @!p0 $0x1C02  }
0x117: {  	[timem:s3], [sflag:s2] =	dma.local @!p0 [hbm:s0], s1  }
0x118: {  	s0 =	simm.s32 @!p0 $0x2  }
0x119: {  	_ =	swait.ge @!p0 [sflag:s0], s1  }
0x11a: {  	s1 =	ssub.s32 @!p0 $0x0, s1;
	[sflag:s0] =	ssyncset.done @!p0 $0x0  }
0x11b: {  	[sflag:s0] =	ssyncadd.s32 @!p0 s1  }
0x11c: {  	[bflag:$0x3] =	sbarrier.arrive $0xFFFF  }
0x11d: {  	_ =	shalt  }

// kernel: kernel.9.cloned.1.call-start
scs
__scs_entry_jumppad:
0x0: {  	(pc) =	sbr.rel $0x88, $3  }
0x1: {  	(tag) =	ssettag $0x0;
	lr =	simm.s32 $0x1  }
0x2: {  	[smem:$0x3F95] =	sst lr;
	_ =	strace $0xD0000000  }
0x3: {  	_ = 	snop  }
0x4: {  	_ = 	snop  }
0x5: {  	_ = 	snop  }
0x6: {  	_ = 	snop  }
0x7: {  	_ = 	snop  }
__scs_overlays_trampoline_lowered:
0x8: {  	[smem:$0x3FA4] =	sst s0  }
0x9: {  	[smem:$0x3FA5] =	sst s1  }
0xa: {  	[smem:$0x3FA6] =	sst s2  }
0xb: {  	[smem:$0x3FA7] =	sst s3  }
0xc: {  	[smem:$0x3FA8] =	sst s4  }
0xd: {  	[smem:$0x3FA9] =	sst s5  }
0xe: {  	[smem:$0x3FAA] =	sst s6  }
0xf: {  	[smem:$0x3FAB] =	sst s7  }
0x10: {  	[smem:$0x3FAC] =	sst s8  }
0x11: {  	[smem:$0x3FAD] =	sst s9;
	s0 =	simm.s32 @!p0 $0x0  }
0x12: {  	s1 =	sld [smem:$0x3F93];
	s0 =	simm.s32 @p0 $0x1  }
0x13: {  	[smem:$0x3FAE] =	sst s0;
	s0 =	simm.s32 @!p1 $0x0  }
0x14: {  	s2 =	sld [smem:$0x3F92];
	s0 =	simm.s32 @p1 $0x1  }
0x15: {  	[smem:$0x3FAF] =	sst s0;
	s0 =	simm.s32 @!p2 $0x0  }
0x16: {  	s3 =	sld [smem:$0x3FDB];
	s0 =	simm.s32 @p2 $0x1  }
0x17: {  	s4 =	simm.s32 $0x1BF5;
	[smem:$0x3FB1] =	sst s0  }
0x18: {  	s0 =	sld [smem:$0x3F94];
	_ =	swait.ge [sflag:s4], $0x0  }
0x19: {  	s7 =	sld [smem:$0x3F95]  }
0x1a: {  	s8 =	sadd.s32 $0xFFFFE003, lr  }
0x1b: {  	s9 =	sadd.s32 $0xFFFFFEF7, lr;
	s5 =	simm.s32 $0xFFFFFFFF;
	p2 =	slt.u32 s8, $0xFFFFF086  }
0x1c: {  	p1 =	slt.u32 s9, $0xF7A;
	s5 =	simm.s32 @!p2 $0x0  }
0x1d: {  	s5 =	simm.s32 @p1 $0x1;
	p0 =	seq.s32 s7, s2  }
0x1e: {  	s7 =	smul.u32 @!p0 $0xF7A, s2;
	p2 =	seq.s32 @!p0 s5, $0x0  }
0x1f: {  	s9 =	smul.u32 $0xF7A, s1;
	s8 =	simm.s32 @!p0 $0x1BF5;
	p2 =	por !p2, p0  }
0x20: {  	[sflag:s8] =	ssyncset.s32 @!p0 $0xFFFFF086;
	s6 =	sadd.s32 @!p0 s3, s7;
	s7 =	simm.s32 @!p0 $0x108  }
0x21: {  	s3 =	sadd.s32 s3, s9;
	s6 =	sadd.s32 @!p0 $0x88, s6;
	s7 =	simm.s32 @p2 $0x1082  }
0x22: {  	[simem:s7], [sflag:s8] =	dma.local @!p0 [hbm:s6], $0xF7A  }
0x23: {  	s9 =	sor.u32 $0xD0000000, s2;
	s6 =	simm.s32 $0x108;
	_ =	swait.ge @!p0 [sflag:s8], $0x0  }
0x24: {  	s3 =	sadd.s32 $0x88, s3;
	s6 =	simm.s32 @!p1 $0x1082;
	[sflag:s4] =	ssyncset.s32 $0xFFFFF086  }
0x25: {  	[simem:s6], [sflag:s4] =	dma.local [hbm:s3], $0xF7A  }
0x26: {  	[smem:$0x3F95] =	sst s1;
	(tag) =	ssettag s2;
	_ =	strace s9  }
0x27: {  	s1 =	sld [smem:$0x3FA5]  }
0x28: {  	s2 =	sld [smem:$0x3FA6]  }
0x29: {  	s4 =	sld [smem:$0x3FA8]  }
0x2a: {  	p0 =	seq.s32 s5, $0x0;
	s5 =	sld [smem:$0x3FA9]  }
0x2b: {  	s6 =	sld [smem:$0x3FAA]  }
0x2c: {  	s7 =	sld [smem:$0x3FAB]  }
0x2d: {  	s3 =	simm.s32 $0x108;
	s8 =	sld [smem:$0x3FAC]  }
0x2e: {  	s3 =	simm.s32 @!p0 $0x1082;
	s9 =	sld [smem:$0x3FAD]  }
0x2f: {  	lr =	sadd.s32 s0, s3;
	s0 =	sld [smem:$0x3FA4]  }
0x30: {  	s3 =	sld [smem:$0x3FA7]  }
0x31: {  	[smem:$0x3FB0] =	sst s10  }
0x32: {  	s10 =	sld [smem:$0x3FAE];
	_ =	sdelay $0x3  }
0x33: {  	p0 =	seq.s32 s10, $0x1;
	s10 =	sld [smem:$0x3FB0];
	_ =	sdelay $0x3  }
0x34: {  	[smem:$0x3FB0] =	sst s10  }
0x35: {  	s10 =	sld [smem:$0x3FAF];
	_ =	sdelay $0x3  }
0x36: {  	p1 =	seq.s32 s10, $0x1;
	s10 =	sld [smem:$0x3FB0];
	_ =	sdelay $0x3  }
0x37: {  	[smem:$0x3FB0] =	sst s10  }
0x38: {  	s10 =	sld [smem:$0x3FB1]  }
0x39: {  	_ = 	snop;
	(pc) =	sbr.ind lr, $3  }
0x3a: {  	_ = 	snop  }
0x3b: {  	_ = 	snop  }
0x3c: {  	p2 =	seq.s32 s10, $0x1;
	s10 =	sld [smem:$0x3FB0]  }
0x3d: {  	_ =	shalt  }
0x3e: {  	_ =	shalt  }
0x3f: {  	_ =	shalt  }
0x40: {  	_ =	shalt  }
0x41: {  	_ =	shalt  }
0x42: {  	_ =	shalt  }
0x43: {  	_ =	shalt  }
0x44: {  	_ =	shalt  }
0x45: {  	_ =	shalt  }
0x46: {  	_ =	shalt  }
0x47: {  	_ =	shalt  }
0x48: {  	_ =	shalt  }
0x49: {  	_ =	shalt  }
0x4a: {  	_ =	shalt  }
0x4b: {  	_ =	shalt  }
0x4c: {  	_ =	shalt  }
0x4d: {  	_ =	shalt  }
0x4e: {  	_ =	shalt  }
0x4f: {  	_ =	shalt  }
0x50: {  	_ =	shalt  }
0x51: {  	_ =	shalt  }
0x52: {  	_ =	shalt  }
0x53: {  	_ =	shalt  }
0x54: {  	_ =	shalt  }
0x55: {  	_ =	shalt  }
0x56: {  	_ =	shalt  }
0x57: {  	_ =	shalt  }
0x58: {  	_ =	shalt  }
0x59: {  	_ =	shalt  }
0x5a: {  	_ =	shalt  }
0x5b: {  	_ =	shalt  }
0x5c: {  	_ =	shalt  }
0x5d: {  	_ =	shalt  }
0x5e: {  	_ =	shalt  }
0x5f: {  	_ =	shalt  }
0x60: {  	_ =	shalt  }
0x61: {  	_ =	shalt  }
0x62: {  	_ =	shalt  }
0x63: {  	_ =	shalt  }
0x64: {  	_ =	shalt  }
0x65: {  	_ =	shalt  }
0x66: {  	_ =	shalt  }
0x67: {  	_ =	shalt  }
0x68: {  	_ =	shalt  }
0x69: {  	_ =	shalt  }
0x6a: {  	_ =	shalt  }
0x6b: {  	_ =	shalt  }
0x6c: {  	_ =	shalt  }
0x6d: {  	_ =	shalt  }
0x6e: {  	_ =	shalt  }
0x6f: {  	_ =	shalt  }
0x70: {  	_ =	shalt  }
0x71: {  	_ =	shalt  }
0x72: {  	_ =	shalt  }
0x73: {  	_ =	shalt  }
0x74: {  	_ =	shalt  }
0x75: {  	_ =	shalt  }
0x76: {  	_ =	shalt  }
0x77: {  	_ =	shalt  }
0x78: {  	_ =	shalt  }
0x79: {  	_ =	shalt  }
0x7a: {  	_ =	shalt  }
0x7b: {  	_ =	shalt  }
0x7c: {  	_ =	shalt  }
0x7d: {  	_ =	shalt  }
0x7e: {  	_ =	shalt  }
0x7f: {  	_ =	shalt  }
0x80: {  	_ =	shalt  }
0x81: {  	_ =	shalt  }
0x82: {  	_ =	shalt  }
0x83: {  	_ =	shalt  }
0x84: {  	_ =	shalt  }
0x85: {  	_ =	shalt  }
0x86: {  	_ =	shalt  }
0x87: {  	_ =	shalt  }
.Lfunc_end0:
.L_simem_size_0:
called_computation.1_lowered:
.L_overlay_start_0:
0x88: {  	s2 =	sld [smem:$0x3FD9]  }
0x89: {  	s3 =	sld [smem:$0x3FFE];
	_ =	sdelay $0x1  }
0x8a: {  	s1 =	srdreg.scid  }
0x8b: {  	s0 =	sand.u32 $0x1, s1  }
0x8c: {  	s17 =	sshll.u32 s0, $0xA;
	s2 =	sadd.s32 s3, s2  }
0x8d: {  	s2 =	sadd.s32 s2, s17  }
0x8e: {  	[smem:$0x3FBC] =	sst s2  }
0x8f: {  	_ = 	snop  }
0x90: {  	s2 =	sld [smem:$0x3FD0];
	(tm) =	ssettm $0x1  }
0x91: {  	s18 =	sld [smem:$0x3FFB];
	_ =	sdelay $0x3  }
0x92: {  	_ =	strace s18  }
0x93: {  	s3 =	sld [smem:$0x3FFC];
	_ =	sdelay $0x3  }
0x94: {  	_ =	strace s3  }
0x95: {  	s3 =	sld [smem:$0x3FFD];
	_ =	sdelay $0x3  }
0x96: {  	_ =	strace s3  }
0x97: {  	_ =	strace $0x8FFFFFFF  }
0x98: {  	s19 =	sld [smem:$0x3FDB];
	_ =	sdelay $0x1  }
0x99: {  	s4 =	simm.s32 $_scs_section_size  }
0x9a: {  	s5 =	simm.s32 $_size__tile_overlayer_lowered;
	s6 =	simm.s32 $_tile_overlayer_lowered  }
0x9b: {  	s22 =	simm.s32 $0x1BFF;
	s21 =	sshll.u32 s6, $0x1;
	s3 =	sadd.s32 s4, s19  }
0x9c: {  	s7 =	simm.s32 $0x0;
	s20 =	sshll.u32 s5, $0x1;
	s5 =	sadd.s32 s21, s3  }
0x9d: {  	[timem:s7], [sflag:s22] =	dma.local [hbm:s5], s20  }
0x9e: {  	_ =	swait.ge [sflag:s22], s20  }
0x9f: {  	s4 =	ssub.s32 $0x0, s20;
	[sflag:s22] =	ssyncset.done $0x0  }
0xa0: {  	[sflag:s22] =	ssyncadd.s32 s4;
	_ =	sdelay $0x1  }
0xa1: {  	s23 =	simm.s32 $0x1B8B  }
0xa2: {  	_ =	swait.ge [sflag:s23], $0x1  }
0xa3: {  	[sflag:s23] =	ssyncset.done $0x0  }
0xa4: {  	s25 =	simm.s32 $0x1B8E;
	s24 =	sld [smem:$0x3FFE];
	[sflag:s23] =	ssyncadd.s32 $0xFFFFFFFF  }
0xa5: {  	s26 =	simm.s32 $execute0_lowered;
	[smem:$0x3FD2] =	sst s25  }
0xa6: {  	s5 =	sshll.u32 s26, $0x1;
	_ =	strace $0x80000049;
	[dreg:$0x1] =	wrdreg $0xFFFFFFFF  }
0xa7: {  	s28 =	simm.s32 $_size_execute0_lowered;
	s3 =	sadd.s32 s3, s5;
	[dreg:$0x0] =	wrdreg $0x0  }
0xa8: {  	s5 =	sshll.u32 s28, $0x1;
	[dreg:$0x2] =	wrdreg s3  }
0xa9: {  	[dreg:$0x3] =	wrdreg s5  }
0xaa: {  	[dreg:$0x4] =	wrdreg $0xC0  }
0xab: {  	_ =	task [dreg:s7], $0x5FFFF  }
0xac: {  	[dreg:$0x1] =	wrdreg $0xFFFFFFFF  }
0xad: {  	[dreg:$0x0] =	wrdreg $0x60  }
0xae: {  	[dreg:$0x2] =	wrdreg s2  }
0xaf: {  	[dreg:$0x3] =	wrdreg s24  }
0xb0: {  	[dreg:$0x4] =	wrdreg $0xBC000  }
0xb1: {  	[dreg:$0x5] =	wrdreg $0x9  }
0xb2: {  	_ =	task.clear_ibuf [dreg:s7], $0x6FFFF;
	_ =	strace $0x90000049  }
0xb3: {  	s29 =	simm.s32 $0x9;
	_ =	strace $0x8000004B  }
0xb4: {  	_ =	swait.ge [sflag:s29], $0x1  }
0xb5: {  	[sflag:s29] =	ssyncadd.s32 $0xFFFFFFFF  }
0xb6: {  	_ =	strace $0x9000004B  }
0xb7: {  	_ =	sfence  }
0xb8: {  	s30 =	sld [smem:$0x0];
	_ =	sdelay $0x2  }
0xb9: {  	s31 =	sshll.u32 s1, $0xD;
	s1 =	sshrl.u32 s1, $0x2  }
0xba: {  	s3 =	sand.u32 $0x4000, s31;
	s1 =	sadd.s32 s1, s30  }
0xbb: {  	s0 =	sor.u32 s3, s0;
	s1 =	sshll.u32 s1, $0x11  }
0xbc: {  	s0 =	sor.u32 s1, s0  }
0xbd: {  	s0 =	sadd.s32 $0x8F2B, s0  }
0xbe: {  	[sflag:s0] =	ssyncadd.remote.s32 $0x1  }
0xbf: {  	_ =	sfence.sel $0xFFFF  }
0xc0: {  	[dreg:$0x0] =	wrdreg $0xFFFFFFFF;
	(pc) =	sbr.abs _section_cstart, $3  }
0xc1: {  	[dreg:$0x1] =	wrdreg $0xFFFFFFFF  }
0xc2: {  	_ =	task.clear_ibuf [dreg:s7], $0x2FFFF;
	_ =	strace $0x9FFFFFFF  }
0xc3: {  	(tm) =	ssettm $0x7FFFFFFF  }
tec
execute0_lowered:
.L_overlay_start_1:
0x0: {  	(tag) =	ssettag $0x1  }
0x1: {  	s1 =	rddreg [dreg:$0x0]  }
0x2: {  	s0 =	srdreg.scid;
	s5 =	rddreg [dreg:$0x1]  }
0x3: {  	s16 =	stileid.u32;
	s2 =	rddreg [dreg:$0x2];
	s17 =	simm.s32 $0x7C00  }
0x4: {  	s18 =	simm.s32 $0x1;
	s19 =	simm.s32 $0x2;
	s21 =	simm.s32 $0x1300  }
0x5: {  	s28 =	simm.s32 $0x3A00;
	s29 =	simm.s32 $0x3A80;
	s30 =	simm.s32 $0x3B00  }
0x6: {  	s31 =	simm.s32 $0x3B80;
	s0 =	sand.u32 $0x1, s0;
	s10 =	smul.u32 $0x2800, s16  }
0x7: {  	s11 =	smul.u32 $0x50000, s16;
	s4 =	sadd.s32 $0x34800, s5;
	s26 =	sshll.u32 s16, $0x6  }
0x8: {  	s3 =	sshll.u32 s0, $0x4;
	s8 =	smul.u32 $0x28000, s0;
	s0 =	ssub.s32 $0x2, s0  }
0x9: {  	s6 =	sor.u32 s16, s3;
	s3 =	simm.s32 $0x0;
	s12 =	sshrl.u32 s0, $0x1  }
0xa: {  	s13 =	sadd.s32 s10, s5;
	s22 =	sshrl.u32 s11, $0x2;
	s11 =	simm.s32 $0x3  }
0xb: {  	s16 =	simm.s32 $0x80;
	s7 =	smul.u32 $0x500, s6;
	[smem:$0x7FF] =	sst s3  }
0xc: {  	s6 =	smul.u32 $0x2800, s6;
	s14 =	sadd.s32 s8, s5;
	s0 =	ssub.s32 s0, s12  }
0xd: {  	s15 =	sadd.s32 s22, s2;
	s12 =	sor.u32 $0x1C03, s26;
	s22 =	simm.s32 $0x2680  }
0xe: {  	s26 =	simm.s32 $0x2780;
	_ =	strace $0x8000004A;
	s25 =	sadd.s32 $0x5BA00, s14  }
0xf: {  	s14 =	simm.s32 $0x7D;
	s9 =	sadd.s32 s7, s5;
	s23 =	sshrl.u32 s6, $0x3  }
0x10: {  	s6 =	sadd.s32 $0xC800, s13;
	s7 =	sadd.s32 s1, s7;
	s13 =	sshrl.u32 s15, $0x3  }
0x11: {  	s15 =	simm.s32 $0x3C00;
	s5 =	sadd.s32 $0x2800, s9;
	s24 =	sadd.s32 s1, s23  }
0x12: {  	s9 =	smax.u32 s0, $0x1;
	s23 =	simm.s32 $0x1380;
	s1 =	simm.s32 $0x0  }
0x13: {  	s8 =	sadd.s32 $0x280, s24;
	s24 =	sadd.s32 s10, s25;
	s25 =	simm.s32 $0x2700  }
.LBB2_1:
0x14: {  	s0 =	simm.s32 $0x1400  }
0x15: {  	[tilespmem:s0], [sflag:$0x3] =	stream.linear.gather [hbm4b:s5+s3], $0x2800, $0x38;
	[tilespmem:$0x1FC00] =	vst v63  }
0x16: {  	_ =	swait.ge [sflag:s11], $0x2800  }
0x17: {  	[sflag:s11] =	ssyncset.done $0x0  }
0x18: {  	[sflag:s11] =	ssyncadd.s32 $0xFFFFD800  }
0x19: {  	[spmem:s13], [sflag:s12] =	dma.local [hbm:s6], $0x2800  }
0x1a: {  	_ =	swait.ge [sflag:s11], $0x2800  }
0x1b: {  	[sflag:s11] =	ssyncset.done $0x0  }
0x1c: {  	[sflag:s11] =	ssyncadd.s32 $0xFFFFD800  }
0x1d: {  	[bflag:$0x0] =	sbarrier.arrive $0xFFFF  }
0x1e: {  	[tilespmem:s3], [sflag:$0x3] =	stream.linear.gather [hbm4b:s7+s3], $0x1400, $0x38;
	[tilespmem:$0x1FC00] =	vst v63  }
0x1f: {  	_ =	swait.ge [sflag:s11], $0x1400  }
0x20: {  	[sflag:s11] =	ssyncset.done $0x0  }
0x21: {  	[sflag:s11] =	ssyncadd.s32 $0xFFFFEC00  }
0x22: {  	[tilespmem:s15], [sflag:$0x1] =	stream.indirect.gather [hbm4b:s4+s14], $0x80, s3, s14, $0xb8;
	[tilespmem:$0x1FC00] =	vst v63  }
0x23: {  	_ = 	snop  }
0x24: {  	[tilespmem:s17], [sflag:$0x2] =	stream.indirect.gather [hbm4b:s4+s14], $0x80, s16, s14, $0xb8;
	[tilespmem:$0x1FC00] =	vst v63  }
0x25: {  	_ =	swait.ge [sflag:s18], $0x3E80  }
0x26: {  	[sflag:s18] =	ssyncset.done $0x0  }
0x27: {  	s20 =	simm.s32 $0x1400;
	[sflag:s18] =	ssyncadd.s32 $0xFFFFC180  }
0x28: {  	[spmem:s2] =	stream.indirect.scatter.add.f32 [tilespmem:s15], [sflag:$0x3], $0x80, s20, s14, $0xb8;
	[tilespmem:$0x1FC00] =	vst v63  }
0x29: {  	_ =	swait.ge [sflag:s11], $0x3E80  }
0x2a: {  	[sflag:s11] =	ssyncset.done $0x0  }
0x2b: {  	s10 =	simm.s32 $0x100;
	[sflag:s11] =	ssyncadd.s32 $0xFFFFC180  }
0x2c: {  	[tilespmem:s15], [sflag:$0x1] =	stream.indirect.gather [hbm4b:s4+s14], $0x80, s10, s14, $0xb8;
	[tilespmem:$0x1FC00] =	vst v63  }
0x2d: {  	_ =	swait.ge [sflag:s19], $0x3E80  }
0x2e: {  	[sflag:s19] =	ssyncset.done $0x0  }
0x2f: {  	s20 =	simm.s32 $0x1480;
	[sflag:s19] =	ssyncadd.s32 $0xFFFFC180  }
0x30: {  	[spmem:s2] =	stream.indirect.scatter.add.f32 [tilespmem:s17], [sflag:$0x3], $0x80, s20, s14, $0xb8;
	[tilespmem:$0x1FC00] =	vst v63  }
0x31: {  	_ =	swait.ge [sflag:s11], $0x3E80  }
0x32: {  	[sflag:s11] =	ssyncset.done $0x0  }
0x33: {  	s0 =	simm.s32 $0x400;
	s10 =	simm.s32 $0x180;
	[sflag:s11] =	ssyncadd.s32 $0xFFFFC180  }
.LBB2_2:
0x34: {  	[tilespmem:s17], [sflag:$0x2] =	stream.indirect.gather [hbm4b:s4+s14], $0x80, s10, s14, $0xb8;
	[tilespmem:$0x1FC00] =	vst v63  }
0x35: {  	s10 =	smov.u32 s0  }
0x36: {  	p0 =	sne.s32 s0, $0x4400;
	s0 =	sadd.s32 $0x400, s0;
	_ =	swait.ge [sflag:s18], $0x3E80  }
0x37: {  	s10 =	sshra.s32 s10, $0x2;
	[sflag:s18] =	ssyncset.done $0x0  }
0x38: {  	s20 =	sadd.s32 $0x1400, s10;
	[sflag:s18] =	ssyncadd.s32 $0xFFFFC180  }
0x39: {  	[spmem:s2] =	stream.indirect.scatter.add.f32 [tilespmem:s15], [sflag:$0x3], $0x80, s20, s14, $0xb8;
	[tilespmem:$0x1FC00] =	vst v63  }
0x3a: {  	_ =	swait.ge [sflag:s11], $0x3E80  }
0x3b: {  	[sflag:s11] =	ssyncset.done $0x0  }
0x3c: {  	s20 =	sadd.s32 $0x100, s10;
	[sflag:s11] =	ssyncadd.s32 $0xFFFFC180  }
0x3d: {  	[tilespmem:s15], [sflag:$0x1] =	stream.indirect.gather [hbm4b:s4+s14], $0x80, s20, s14, $0xb8;
	[tilespmem:$0x1FC00] =	vst v63  }
0x3e: {  	_ =	swait.ge [sflag:s19], $0x3E80  }
0x3f: {  	[sflag:s19] =	ssyncset.done $0x0  }
.Ltmp0:
0x40: {  	s20 =	sadd.s32 $0x1480, s10;
	[sflag:s19] =	ssyncadd.s32 $0xFFFFC180;
	(pc) =	sbr.rel @p0 .LBB2_2-.Ltmp0, $4  }
0x41: {  	[spmem:s2] =	stream.indirect.scatter.add.f32 [tilespmem:s17], [sflag:$0x3], $0x80, s20, s14, $0xb8;
	[tilespmem:$0x1FC00] =	vst v63  }
0x42: {  	_ =	swait.ge [sflag:s11], $0x3E80  }
0x43: {  	[sflag:s11] =	ssyncset.done $0x0  }
0x44: {  	s10 =	sadd.s32 $0x180, s10;
	[sflag:s11] =	ssyncadd.s32 $0xFFFFC180  }
0x45: {  	[tilespmem:s17], [sflag:$0x2] =	stream.indirect.gather [hbm4b:s4+s14], $0x80, s10, s14, $0xb8;
	[tilespmem:$0x1FC00] =	vst v63  }
0x46: {  	_ =	swait.ge [sflag:s18], $0x3E80  }
0x47: {  	[sflag:s18] =	ssyncset.done $0x0  }
0x48: {  	s0 =	simm.s32 $0x2600;
	[sflag:s18] =	ssyncadd.s32 $0xFFFFC180  }
0x49: {  	[spmem:s2] =	stream.indirect.scatter.add.f32 [tilespmem:s15], [sflag:$0x3], $0x80, s0, s14, $0xb8;
	[tilespmem:$0x1FC00] =	vst v63  }
0x4a: {  	_ =	swait.ge [sflag:s11], $0x3E80  }
0x4b: {  	[sflag:s11] =	ssyncset.done $0x0  }
0x4c: {  	[sflag:s11] =	ssyncadd.s32 $0xFFFFC180  }
0x4d: {  	[tilespmem:s15], [sflag:$0x1] =	stream.indirect.gather [hbm4b:s4+s14], $0x80, s21, s14, $0xb8;
	[tilespmem:$0x1FC00] =	vst v63  }
0x4e: {  	_ =	swait.ge [sflag:s19], $0x3E80  }
0x4f: {  	[sflag:s19] =	ssyncset.done $0x0  }
0x50: {  	[sflag:s19] =	ssyncadd.s32 $0xFFFFC180  }
0x51: {  	[spmem:s2] =	stream.indirect.scatter.add.f32 [tilespmem:s17], [sflag:$0x3], $0x80, s22, s14, $0xb8;
	[tilespmem:$0x1FC00] =	vst v63  }
0x52: {  	_ =	swait.ge [sflag:s11], $0x3E80  }
0x53: {  	[sflag:s11] =	ssyncset.done $0x0  }
0x54: {  	[sflag:s11] =	ssyncadd.s32 $0xFFFFC180  }
0x55: {  	[tilespmem:s17], [sflag:$0x2] =	stream.indirect.gather [hbm4b:s4+s14], $0x80, s23, s14, $0xb8;
	[tilespmem:$0x1FC00] =	vst v63  }
0x56: {  	_ =	swait.ge [sflag:s18], $0x3E80  }
0x57: {  	[sflag:s18] =	ssyncset.done $0x0  }
0x58: {  	[sflag:s18] =	ssyncadd.s32 $0xFFFFC180  }
0x59: {  	[spmem:s2] =	stream.indirect.scatter.add.f32 [tilespmem:s15], [sflag:$0x3], $0x80, s25, s14, $0xb8;
	[tilespmem:$0x1FC00] =	vst v63  }
0x5a: {  	_ =	swait.ge [sflag:s11], $0x3E80  }
0x5b: {  	[sflag:s11] =	ssyncset.done $0x0  }
0x5c: {  	[sflag:s11] =	ssyncadd.s32 $0xFFFFC180  }
0x5d: {  	[tilespmem:s15], [sflag:$0x1] =	stream.indirect.gather [hbm4b:s4+s14], $0x80, s23, s14, $0xb8;
	[tilespmem:$0x1FC00] =	vst v63  }
0x5e: {  	_ =	swait.ge [sflag:s19], $0x3E80  }
0x5f: {  	[sflag:s19] =	ssyncset.done $0x0  }
0x60: {  	[sflag:s19] =	ssyncadd.s32 $0xFFFFC180  }
0x61: {  	[spmem:s2] =	stream.indirect.scatter.add.f32 [tilespmem:s17], [sflag:$0x3], $0x80, s26, s14, $0xb8;
	[tilespmem:$0x1FC00] =	vst v63  }
0x62: {  	_ =	swait.ge [sflag:s11], $0x3E80  }
0x63: {  	[sflag:s11] =	ssyncset.done $0x0  }
0x64: {  	[sflag:s11] =	ssyncadd.s32 $0xFFFFC180  }
0x65: {  	[tilespmem:s17], [sflag:$0x2] =	stream.indirect.gather [hbm4b:s4+s14], $0x80, s23, s14, $0xb8;
	[tilespmem:$0x1FC00] =	vst v63  }
0x66: {  	_ =	swait.ge [sflag:s18], $0x3E80  }
0x67: {  	[sflag:s18] =	ssyncset.done $0x0  }
0x68: {  	[sflag:s18] =	ssyncadd.s32 $0xFFFFC180  }
0x69: {  	_ =	swait.ge [sflag:s19], $0x3E80  }
0x6a: {  	[sflag:s19] =	ssyncset.done $0x0  }
0x6b: {  	[sflag:s19] =	ssyncadd.s32 $0xFFFFC180  }
0x6c: {  	[tilespmem:s3], [sflag:$0x3] =	stream.linear.gather [hbm4b:s8+s3], $0x1400, $0x38;
	[tilespmem:$0x1FC00] =	vst v63  }
0x6d: {  	_ =	swait.ge [sflag:s11], $0x1400  }
0x6e: {  	[sflag:s11] =	ssyncset.done $0x0  }
0x6f: {  	[sflag:s11] =	ssyncadd.s32 $0xFFFFEC00  }
0x70: {  	[tilespmem:s15], [sflag:$0x1] =	stream.indirect.gather [hbm4b:s4+s14], $0x80, s3, s14, $0xb8;
	[tilespmem:$0x1FC00] =	vst v63  }
0x71: {  	_ = 	snop  }
0x72: {  	[tilespmem:s17], [sflag:$0x2] =	stream.indirect.gather [hbm4b:s4+s14], $0x80, s16, s14, $0xb8;
	[tilespmem:$0x1FC00] =	vst v63  }
0x73: {  	_ =	swait.ge [sflag:s18], $0x3E80  }
0x74: {  	[sflag:s18] =	ssyncset.done $0x0  }
0x75: {  	s20 =	simm.s32 $0x2800;
	[sflag:s18] =	ssyncadd.s32 $0xFFFFC180  }
0x76: {  	[spmem:s2] =	stream.indirect.scatter.add.f32 [tilespmem:s15], [sflag:$0x3], $0x80, s20, s14, $0xb8;
	[tilespmem:$0x1FC00] =	vst v63  }
0x77: {  	_ =	swait.ge [sflag:s11], $0x3E80  }
0x78: {  	[sflag:s11] =	ssyncset.done $0x0  }
0x79: {  	s10 =	simm.s32 $0x100;
	[sflag:s11] =	ssyncadd.s32 $0xFFFFC180  }
0x7a: {  	[tilespmem:s15], [sflag:$0x1] =	stream.indirect.gather [hbm4b:s4+s14], $0x80, s10, s14, $0xb8;
	[tilespmem:$0x1FC00] =	vst v63  }
0x7b: {  	_ =	swait.ge [sflag:s19], $0x3E80  }
0x7c: {  	[sflag:s19] =	ssyncset.done $0x0  }
0x7d: {  	s20 =	simm.s32 $0x2880;
	[sflag:s19] =	ssyncadd.s32 $0xFFFFC180  }
0x7e: {  	[spmem:s2] =	stream.indirect.scatter.add.f32 [tilespmem:s17], [sflag:$0x3], $0x80, s20, s14, $0xb8;
	[tilespmem:$0x1FC00] =	vst v63  }
0x7f: {  	_ =	swait.ge [sflag:s11], $0x3E80  }
0x80: {  	[sflag:s11] =	ssyncset.done $0x0  }
0x81: {  	s0 =	simm.s32 $0xFFFFBC00;
	s10 =	simm.s32 $0x180;
	[sflag:s11] =	ssyncadd.s32 $0xFFFFC180  }
.LBB2_4:
0x82: {  	[tilespmem:s17], [sflag:$0x2] =	stream.indirect.gather [hbm4b:s4+s14], $0x80, s10, s14, $0xb8;
	[tilespmem:$0x1FC00] =	vst v63  }
0x83: {  	s10 =	smov.u32 s0  }
0x84: {  	p0 =	sne.s32 s0, $0xFFFFFC00;
	s0 =	sadd.s32 $0x400, s0;
	_ =	swait.ge [sflag:s18], $0x3E80  }
0x85: {  	s10 =	sshra.s32 s10, $0x2;
	[sflag:s18] =	ssyncset.done $0x0  }
0x86: {  	s20 =	sadd.s32 $0x3A00, s10;
	[sflag:s18] =	ssyncadd.s32 $0xFFFFC180  }
0x87: {  	[spmem:s2] =	stream.indirect.scatter.add.f32 [tilespmem:s15], [sflag:$0x3], $0x80, s20, s14, $0xb8;
	[tilespmem:$0x1FC00] =	vst v63  }
0x88: {  	_ =	swait.ge [sflag:s11], $0x3E80  }
0x89: {  	[sflag:s11] =	ssyncset.done $0x0  }
0x8a: {  	s20 =	sadd.s32 $0x1300, s10;
	[sflag:s11] =	ssyncadd.s32 $0xFFFFC180  }
0x8b: {  	[tilespmem:s15], [sflag:$0x1] =	stream.indirect.gather [hbm4b:s4+s14], $0x80, s20, s14, $0xb8;
	[tilespmem:$0x1FC00] =	vst v63  }
0x8c: {  	_ =	swait.ge [sflag:s19], $0x3E80  }
0x8d: {  	[sflag:s19] =	ssyncset.done $0x0  }
.Ltmp1:
0x8e: {  	s20 =	sadd.s32 $0x3A80, s10;
	[sflag:s19] =	ssyncadd.s32 $0xFFFFC180;
	(pc) =	sbr.rel @p0 .LBB2_4-.Ltmp1, $4  }
0x8f: {  	[spmem:s2] =	stream.indirect.scatter.add.f32 [tilespmem:s17], [sflag:$0x3], $0x80, s20, s14, $0xb8;
	[tilespmem:$0x1FC00] =	vst v63  }
0x90: {  	_ =	swait.ge [sflag:s11], $0x3E80  }
0x91: {  	[sflag:s11] =	ssyncset.done $0x0  }
0x92: {  	s10 =	sadd.s32 $0x1380, s10;
	[sflag:s11] =	ssyncadd.s32 $0xFFFFC180  }
0x93: {  	[tilespmem:s17], [sflag:$0x2] =	stream.indirect.gather [hbm4b:s4+s14], $0x80, s10, s14, $0xb8;
	[tilespmem:$0x1FC00] =	vst v63  }
0x94: {  	_ =	swait.ge [sflag:s18], $0x3E80  }
0x95: {  	[sflag:s18] =	ssyncset.done $0x0  }
0x96: {  	[sflag:s18] =	ssyncadd.s32 $0xFFFFC180  }
0x97: {  	[spmem:s2] =	stream.indirect.scatter.add.f32 [tilespmem:s15], [sflag:$0x3], $0x80, s28, s14, $0xb8;
	[tilespmem:$0x1FC00] =	vst v63  }
0x98: {  	_ =	swait.ge [sflag:s11], $0x3E80  }
0x99: {  	[sflag:s11] =	ssyncset.done $0x0  }
0x9a: {  	[sflag:s11] =	ssyncadd.s32 $0xFFFFC180  }
0x9b: {  	[tilespmem:s15], [sflag:$0x1] =	stream.indirect.gather [hbm4b:s4+s14], $0x80, s21, s14, $0xb8;
	[tilespmem:$0x1FC00] =	vst v63  }
0x9c: {  	_ =	swait.ge [sflag:s19], $0x3E80  }
0x9d: {  	[sflag:s19] =	ssyncset.done $0x0  }
0x9e: {  	[sflag:s19] =	ssyncadd.s32 $0xFFFFC180  }
0x9f: {  	[spmem:s2] =	stream.indirect.scatter.add.f32 [tilespmem:s17], [sflag:$0x3], $0x80, s29, s14, $0xb8;
	[tilespmem:$0x1FC00] =	vst v63  }
0xa0: {  	_ =	swait.ge [sflag:s11], $0x3E80  }
0xa1: {  	[sflag:s11] =	ssyncset.done $0x0  }
0xa2: {  	[sflag:s11] =	ssyncadd.s32 $0xFFFFC180  }
0xa3: {  	[tilespmem:s17], [sflag:$0x2] =	stream.indirect.gather [hbm4b:s4+s14], $0x80, s23, s14, $0xb8;
	[tilespmem:$0x1FC00] =	vst v63  }
0xa4: {  	_ =	swait.ge [sflag:s18], $0x3E80  }
0xa5: {  	[sflag:s18] =	ssyncset.done $0x0  }
0xa6: {  	[sflag:s18] =	ssyncadd.s32 $0xFFFFC180  }
0xa7: {  	[spmem:s2] =	stream.indirect.scatter.add.f32 [tilespmem:s15], [sflag:$0x3], $0x80, s30, s14, $0xb8;
	[tilespmem:$0x1FC00] =	vst v63  }
0xa8: {  	_ =	swait.ge [sflag:s11], $0x3E80  }
0xa9: {  	[sflag:s11] =	ssyncset.done $0x0  }
0xaa: {  	[sflag:s11] =	ssyncadd.s32 $0xFFFFC180  }
0xab: {  	[tilespmem:s15], [sflag:$0x1] =	stream.indirect.gather [hbm4b:s4+s14], $0x80, s23, s14, $0xb8;
	[tilespmem:$0x1FC00] =	vst v63  }
0xac: {  	_ =	swait.ge [sflag:s19], $0x3E80  }
0xad: {  	[sflag:s19] =	ssyncset.done $0x0  }
0xae: {  	[sflag:s19] =	ssyncadd.s32 $0xFFFFC180  }
0xaf: {  	[spmem:s2] =	stream.indirect.scatter.add.f32 [tilespmem:s17], [sflag:$0x3], $0x80, s31, s14, $0xb8;
	[tilespmem:$0x1FC00] =	vst v63  }
0xb0: {  	_ =	swait.ge [sflag:s11], $0x3E80  }
0xb1: {  	[sflag:s11] =	ssyncset.done $0x0  }
0xb2: {  	[sflag:s11] =	ssyncadd.s32 $0xFFFFC180  }
0xb3: {  	[tilespmem:s17], [sflag:$0x2] =	stream.indirect.gather [hbm4b:s4+s14], $0x80, s23, s14, $0xb8;
	[tilespmem:$0x1FC00] =	vst v63  }
0xb4: {  	_ =	swait.ge [sflag:s18], $0x3E80  }
0xb5: {  	[sflag:s18] =	ssyncset.done $0x0  }
0xb6: {  	[sflag:s18] =	ssyncadd.s32 $0xFFFFC180  }
0xb7: {  	_ =	swait.ge [sflag:s19], $0x3E80  }
0xb8: {  	s1 =	sadd.s32 $0x1, s1;
	[sflag:s19] =	ssyncset.done $0x0  }
0xb9: {  	p0 =	sne.s32 s1, s9;
	[sflag:s19] =	ssyncadd.s32 $0xFFFFC180  }
.Ltmp2:
0xba: {  	[bflag:$0x0] =	sbarrier.arrive $0xFFFF;
	(pc) =	sbr.rel @p0 .LBB2_1-.Ltmp2, $4  }
0xbb: {  	[hbm:s24], [sflag:s12] =	dma.local [spmem:s13], $0x2800  }
0xbc: {  	_ =	swait.ge [sflag:s11], $0x2800  }
0xbd: {  	[sflag:s11] =	ssyncset.done $0x0  }
0xbe: {  	[sflag:s11] =	ssyncadd.s32 $0xFFFFD800  }
0xbf: {  	_ =	sfence.sel $0x180000  }
0xc0: {  	[bflag:$0x0] =	sbarrier.arrive $0xFFFF  }
0xc1: {  	_ =	strace $0x9000004A  }
0xc2: {  	s0 =	stileid.u32;
	[bflag:$0x2] =	sbarrier.arrive $0xFFFF  }
0xc3: {  	p0 =	sne.s32 s0, $0x0;
	s0 =	rddreg [dreg:$0x3]  }
0xc4: {  	s0 =	sadd.s32 @!p0 $0x100000, s0  }
0xc5: {  	[sflag:s0] =	ssyncadd.tile.s32 @!p0 $0x1;
	_ =	shalt  }
.Lfunc_end2:
_tile_overlayer_lowered:
.L_overlay_start_2:
0xc6: {  	(tag) =	ssettag $0x2  }
0xc7: {  	s0 =	rddreg [dreg:$0x0];
	s2 =	stileid.u32  }
0xc8: {  	s1 =	rddreg [dreg:$0x1];
	p0 =	sne.s32 s2, $0x0  }
0xc9: {  	s3 =	rddreg [dreg:$0x2];
	[bflag:$0x3] =	sbarrier.arrive $0xFFFF;
	s2 =	simm.s32 @!p0 $0x1C03  }
0xca: {  	[timem:s3], [sflag:s2] =	dma.local @!p0 [hbm:s0], s1  }
0xcb: {  	s0 =	simm.s32 @!p0 $0x3  }
0xcc: {  	_ =	swait.ge @!p0 [sflag:s0], s1  }
0xcd: {  	s1 =	ssub.s32 @!p0 $0x0, s1;
	[sflag:s0] =	ssyncset.done @!p0 $0x0  }
0xce: {  	[sflag:s0] =	ssyncadd.s32 @!p0 s1  }
0xcf: {  	[bflag:$0x3] =	sbarrier.arrive $0xFFFF  }
0xd0: {  	_ =	shalt  }

</sc_bundles>
